<compile_context>
chip_gen: v7x
topology: tpu7x:2x2x1
jax: 0.10.2.dev20260603
libtpu: 0.0.44.dev20260713+nightly
codegen_flags: <defaults>
</compile_context>

<pallas_src>
import functools

import jax
import jax.numpy as jnp
from jax import lax
from jax.experimental import pallas as pl
from jax.experimental.pallas import tpu as pltpu
from jax.experimental.pallas import tpu_sc as plsc

_H = 10
_HP = 16
_NC = 2
_NS = 16
_NT = 3
_CHUNK = 8192
_UNROLL = 8


@functools.cache
def _sc_segment_sum(n_pad: int, e_pad: int):
  ept = e_pad // _NT
  nch = ept // _CHUNK
  mesh = plsc.VectorSubcoreMesh(core_axis_name="c", subcore_axis_name="s")

  @functools.partial(
      pl.kernel,
      out_type=jax.ShapeDtypeStruct((_NT, _HP, n_pad), jnp.float32),
      mesh=mesh,
      compiler_params=pltpu.CompilerParams(
          use_tc_tiling_on_sc=False, needs_layout_passes=False),
      scratch_types=[
          pltpu.VMEM((n_pad,), jnp.float32),
          pltpu.VMEM((n_pad,), jnp.float32),
          pltpu.VMEM((2, _CHUNK), jnp.int32),
          pltpu.VMEM((2, _CHUNK), jnp.int32),
          pltpu.VMEM((2, _CHUNK), jnp.float32),
          pltpu.SemaphoreType.DMA,
          pltpu.SemaphoreType.DMA,
      ],
  )
  def sc_kernel(y_hbm, src_hbm, dst_hbm, ew_hbm, out_hbm,
                ycol, acc, sring, dring, wring, sem0, sem1):
    c = lax.axis_index("c")
    s = lax.axis_index("s")
    wid = s * _NC + c
    sems = (sem0, sem1)

    @pl.when(wid < _H * _NT)
    def _():
      f = wid % _H
      t = wid // _H
      base = t * ept

      pltpu.sync_copy(y_hbm.at[f], ycol)

      @pl.loop(0, n_pad // _HP)
      def _(i):
        acc[pl.ds(i * _HP, _HP)] = jnp.zeros((_HP,), jnp.float32)

      def fire(k, b):
        off = base + k * _CHUNK
        pltpu.async_copy(src_hbm.at[pl.ds(off, _CHUNK)], sring.at[b], sems[b])
        pltpu.async_copy(dst_hbm.at[pl.ds(off, _CHUNK)], dring.at[b], sems[b])
        pltpu.async_copy(ew_hbm.at[pl.ds(off, _CHUNK)], wring.at[b], sems[b])

      def drain(k, b):
        off = base + k * _CHUNK
        pltpu.make_async_copy(
            src_hbm.at[pl.ds(off, _CHUNK)], sring.at[b], sems[b]).wait()
        pltpu.make_async_copy(
            dst_hbm.at[pl.ds(off, _CHUNK)], dring.at[b], sems[b]).wait()
        pltpu.make_async_copy(
            ew_hbm.at[pl.ds(off, _CHUNK)], wring.at[b], sems[b]).wait()

      def process(b):
        @pl.loop(0, _CHUNK // (16 * _UNROLL))
        def _(g):
          o0 = g * (16 * _UNROLL)
          offs = [pl.ds(pl.multiple_of(o0 + u * 16, 16), 16)
                  for u in range(_UNROLL)]
          ss = [sring[b, o] for o in offs]
          dd = [dring[b, o] for o in offs]
          ww = [wring[b, o] for o in offs]
          vv = [plsc.load_gather(ycol, [s16]) for s16 in ss]
          pp = [v * w for v, w in zip(vv, ww)]
          for d16, p in zip(dd, pp):
            plsc.addupdate_scatter(acc, [d16], p)

      fire(0, 0)

      @pl.loop(0, nch, step=2)
      def _(k):
        fire(k + 1, 1)
        drain(k, 0)
        process(0)

        @pl.when(k + 2 < nch)
        def _():
          fire(k + 2, 0)

        drain(k + 1, 1)
        process(1)

      pltpu.sync_copy(acc, out_hbm.at[t, f])

  return sc_kernel


def _tc_pre(x0, wz, wr, bias):
  n, d = x0.shape
  rb = n

  def body(x_ref, wz_ref, wr_ref, b_ref, z_ref, r_ref):
    x = x_ref[...]
    z_ref[...] = jnp.dot(x, wz_ref[...], preferred_element_type=jnp.float32)
    r_ref[...] = (jnp.dot(x, wr_ref[...], preferred_element_type=jnp.float32)
                  + b_ref[...])

  return pl.pallas_call(
      body,
      grid=(n // rb,),
      in_specs=[
          pl.BlockSpec((rb, d), lambda i: (i, 0)),
          pl.BlockSpec((d, _HP), lambda i: (0, 0)),
          pl.BlockSpec((d, _HP), lambda i: (0, 0)),
          pl.BlockSpec((1, _HP), lambda i: (0, 0)),
      ],
      out_specs=[
          pl.BlockSpec((rb, _HP), lambda i: (i, 0)),
          pl.BlockSpec((rb, _HP), lambda i: (i, 0)),
      ],
      out_shape=[jax.ShapeDtypeStruct((n, _HP), jnp.float32)] * 2,
  )(x0, wz, wr, bias)


def _row_mask(rb):
  return lax.broadcasted_iota(jnp.int32, (_HP, rb), 0) < _H


def _tc_mid(parts, r_prev, wz, wr, bias):
  n = r_prev.shape[1]
  rb = n

  def body(p_ref, rp_ref, wz_ref, wr_ref, b_ref, z_ref, r_ref):
    x = jnp.maximum(p_ref[0] + p_ref[1] + p_ref[2] + rp_ref[...], 0.0)
    x = jnp.where(_row_mask(rb), x, 0.0)
    z_ref[...] = x
    r_ref[...] = (jnp.dot(wr_ref[...], x, preferred_element_type=jnp.float32)
                  + b_ref[...])

  return pl.pallas_call(
      body,
      grid=(n // rb,),
      in_specs=[
          pl.BlockSpec((_NT, _HP, rb), lambda i: (0, 0, i)),
          pl.BlockSpec((_HP, rb), lambda i: (0, i)),
          pl.BlockSpec((_HP, _HP), lambda i: (0, 0)),
          pl.BlockSpec((_HP, _HP), lambda i: (0, 0)),
          pl.BlockSpec((_HP, 1), lambda i: (0, 0)),
      ],
      out_specs=[
          pl.BlockSpec((_HP, rb), lambda i: (0, i)),
          pl.BlockSpec((_HP, rb), lambda i: (0, i)),
      ],
      out_shape=[jax.ShapeDtypeStruct((_HP, n), jnp.float32)] * 2,
  )(parts, r_prev, wz, wr, bias)


def _tc_post(parts, r_prev, wz, wlin, blin):
  n = r_prev.shape[1]
  rb = n

  def body(p_ref, rp_ref, wz_ref, wl_ref, bl_ref, o_ref):
    agg = jnp.where(_row_mask(rb), p_ref[0] + p_ref[1] + p_ref[2], 0.0)
    h = (jnp.dot(wz_ref[...], agg, preferred_element_type=jnp.float32)
         + rp_ref[...])
    x = jnp.maximum(h, 0.0)
    x = jnp.where(_row_mask(rb), x, 0.0)
    o_ref[...] = (jnp.sum(x * wl_ref[...], axis=0, keepdims=True)
                  + bl_ref[...])

  return pl.pallas_call(
      body,
      grid=(n // rb,),
      in_specs=[
          pl.BlockSpec((_NT, _HP, rb), lambda i: (0, 0, i)),
          pl.BlockSpec((_HP, rb), lambda i: (0, i)),
          pl.BlockSpec((_HP, _HP), lambda i: (0, 0)),
          pl.BlockSpec((_HP, 1), lambda i: (0, 0)),
          pl.BlockSpec((1, 1), lambda i: (0, 0)),
      ],
      out_specs=pl.BlockSpec((1, rb), lambda i: (0, i)),
      out_shape=jax.ShapeDtypeStruct((1, n), jnp.float32),
  )(parts, r_prev, wz, wlin, blin)


def _pad_w(w):
  h, d = w.shape
  return jnp.zeros((_HP, max(d, _HP)), jnp.float32).at[:h, :d].set(w)


def _pad_col(b):
  return jnp.zeros((_HP, 1), jnp.float32).at[: b.shape[0], 0].set(b)


def kernel(x0, edge_index, edge_weights, W1_rel, b1, W1_root,
           W2_rel, b2, W2_root, W_lin, b_lin):
  n, _ = x0.shape
  e = edge_index.shape[1]
  src = edge_index[0]
  dst = edge_index[1]

  n_pad = -(-n // 128) * 128
  x0p = jnp.zeros((n_pad, x0.shape[1]), jnp.float32).at[:n].set(x0)

  granule = _NT * 2 * _CHUNK
  e_pad = -(-e // granule) * granule
  pad = e_pad - e
  if pad:
    src = jnp.concatenate([src, jnp.zeros((pad,), src.dtype)])
    dst = jnp.concatenate([dst, jnp.zeros((pad,), dst.dtype)])
    edge_weights = jnp.concatenate(
        [edge_weights, jnp.zeros((pad,), edge_weights.dtype)])

  wz1, wr1 = _pad_w(W1_rel).T, _pad_w(W1_root).T
  b1p = _pad_col(b1).T
  wz2, wr2, b2p = _pad_w(W2_rel), _pad_w(W2_root), _pad_col(b2)
  wlp = _pad_col(W_lin[0])
  blp = b_lin.reshape(1, 1)

  sc_seg = _sc_segment_sum(n_pad, e_pad)

  z0, r0 = _tc_pre(x0p, wz1, wr1, b1p)
  z0t, r0t = z0.T, r0.T
  p1 = sc_seg(z0t, src, dst, edge_weights)
  x1, r1 = _tc_mid(p1, r0t, wz2, wr2, b2p)
  p2 = sc_seg(x1, src, dst, edge_weights)
  out = _tc_post(p2, r1, wz2, wlp, blp)
  return out[0, :n, None]

# --- scband reference (transcript-rebuilt; emitter-appended) ---
"""Pipeline reference for scband-netsimple2-16226386444401 (READ-ONLY COPY).

The authoritative reference and input builder live on the scoring server;
editing this copy changes nothing except your own understanding.
"""

import jax, jax.numpy as jnp
import numpy as np

N = 10000
E = 320000
D = 128
H = 10


def setup_inputs(seed: int = 0) -> dict:
    key = jax.random.key(seed)
    ks = jax.random.split(key, 12)
    x0 = jax.random.normal(ks[0], (N, D), dtype=jnp.float32)
    edge_index = jax.random.randint(ks[1], (2, E), 0, N, dtype=jnp.int32)
    edge_weights = jax.random.uniform(ks[2], (E,), dtype=jnp.float32)
    # GraphConv1: in_channels=128 -> hidden=10 (lin_rel has bias, lin_root no bias, PyG convention)
    W1_rel = jax.random.normal(ks[3], (H, D), dtype=jnp.float32) * 0.05
    b1 = jax.random.normal(ks[4], (H,), dtype=jnp.float32) * 0.05
    W1_root = jax.random.normal(ks[5], (H, D), dtype=jnp.float32) * 0.05
    # GraphConv2: hidden=10 -> hidden=10
    W2_rel = jax.random.normal(ks[6], (H, H), dtype=jnp.float32) * 0.05
    b2 = jax.random.normal(ks[7], (H,), dtype=jnp.float32) * 0.05
    W2_root = jax.random.normal(ks[8], (H, H), dtype=jnp.float32) * 0.05
    # final Linear(10, 1)
    W_lin = jax.random.normal(ks[9], (1, H), dtype=jnp.float32) * 0.05
    b_lin = jax.random.normal(ks[10], (1,), dtype=jnp.float32) * 0.05
    return {
        'x0': x0, 'edge_index': edge_index, 'edge_weights': edge_weights,
        'W1_rel': W1_rel, 'b1': b1, 'W1_root': W1_root,
        'W2_rel': W2_rel, 'b2': b2, 'W2_root': W2_root,
        'W_lin': W_lin, 'b_lin': b_lin,
    }


def reference(x0, edge_index, edge_weights, W1_rel, b1, W1_root, W2_rel, b2, W2_root, W_lin, b_lin):
    src = edge_index[0]
    dst = edge_index[1]

    def graph_conv(x, W_rel, b_rel, W_root):
        # message: x_j * edge_weight, aggregated (sum) at dst nodes
        msgs = jnp.take(x, src, axis=0) * edge_weights[:, None]
        agg = jax.ops.segment_sum(msgs, dst, num_segments=N)
        return agg @ W_rel.T + b_rel + x @ W_root.T

    x1 = jax.nn.relu(graph_conv(x0, W1_rel, b1, W1_root))
    x2 = jax.nn.relu(graph_conv(x1, W2_rel, b2, W2_root))
    out = x2 @ W_lin.T + b_lin
    return out

if __name__ == "__main__":
    import jax
    _d = setup_inputs()
    print(jax.jit(kernel)(*tuple(_d.values())))

</pallas_src>

<mosaic_0001>
#map = affine_map<(d0, d1) -> (0, 0)>
#map1 = affine_map<(d0, d1) -> (0)>
#map2 = affine_map<(d0, d1) -> (0, 0, 0)>
module attributes {stable_mosaic.version = 14 : i64} {
  func.func @sc_kernel(%arg0: i32, %arg1: i32, %arg2: memref<16x10112xf32, #tpu.memory_space<hbm>>, %arg3: memref<344064xi32, #tpu.memory_space<hbm>>, %arg4: memref<344064xi32, #tpu.memory_space<hbm>>, %arg5: memref<344064xf32, #tpu.memory_space<hbm>>, %arg6: memref<3x16x10112xf32, #tpu.memory_space<hbm>>, %arg7: memref<10112xf32, #tpu.memory_space<vmem>>, %arg8: memref<10112xf32, #tpu.memory_space<vmem>>, %arg9: memref<2x8192xi32, #tpu.memory_space<vmem>>, %arg10: memref<2x8192xi32, #tpu.memory_space<vmem>>, %arg11: memref<2x8192xf32, #tpu.memory_space<vmem>>, %arg12: memref<!tpu.dma_semaphore, #tpu.memory_space<semaphore_mem>>, %arg13: memref<!tpu.dma_semaphore, #tpu.memory_space<semaphore_mem>>) attributes {dimension_semantics = [#tpu.dimension_semantics<core_parallel>, #tpu.dimension_semantics<subcore_parallel>], iteration_bounds = array<i64: 2, 16>, scalar_prefetch = 0 : i64, scratch_operands = 7 : i64, tpu.core_type = #tpu.core_type<sc_vector_subcore>, window_params = [{transform_indices = #map}, {transform_indices = #map1}, {transform_indices = #map1}, {transform_indices = #map1}, {transform_indices = #map2}]} {
    %mul3A = arith.constant 2 : i32
    %mul3A_0 = arith.muli %arg1, %mul3A : i32
    %add3A = arith.addi %mul3A_0, %arg0 : i32
    %lt3A = arith.constant 30 : i32
    %lt3A_1 = arith.cmpi slt, %add3A, %lt3A : i32
    %convert_element_type3A = arith.extui %lt3A_1 : i1 to i32
    %cond3A = arith.constant 0 : i32
    %cond3A_2 = arith.cmpi ne, %convert_element_type3A, %cond3A : i32
    scf.if %cond3A_2 {
      %jit3A = arith.constant 10 : i32
      %eq3A = arith.constant 0 : i32
      %eq3A_3 = arith.cmpi eq, %jit3A, %eq3A : i32
      %jit3A_4 = arith.constant 1 : i32
      %select_n3A = arith.select %eq3A_3, %jit3A_4, %jit3A : i32
      %rem3A = arith.remsi %add3A, %select_n3A : i32
      %ne3A = arith.constant 0 : i32
      %ne3A_5 = arith.cmpi ne, %rem3A, %ne3A : i32
      %lt3A_6 = arith.constant 0 : i32
      %lt3A_7 = arith.cmpi slt, %rem3A, %lt3A_6 : i32
      %lt3A_8 = arith.constant 0 : i32
      %lt3A_9 = arith.cmpi slt, %select_n3A, %lt3A_8 : i32
      %ne3A_10 = arith.xori %lt3A_7, %lt3A_9 : i1
      %and3A = arith.andi %ne3A_10, %ne3A_5 : i1
      %add3A_11 = arith.addi %rem3A, %select_n3A : i32
      %select_n3A_12 = arith.select %and3A, %add3A_11, %rem3A : i32
      %jit3A_13 = arith.constant 10 : i32
      %div3A = arith.divsi %add3A, %jit3A_13 : i32
      %sign3A = arith.constant 0 : i32
      %sign3A_14 = arith.cmpi sgt, %add3A, %sign3A : i32
      %sign3A_15 = arith.extui %sign3A_14 : i1 to i32
      %sign3A_16 = arith.constant 0 : i32
      %sign3A_17 = arith.cmpi slt, %add3A, %sign3A_16 : i32
      %sign3A_18 = arith.extui %sign3A_17 : i1 to i32
      %sign3A_19 = arith.subi %sign3A_15, %sign3A_18 : i32
      %sign3A_20 = arith.constant 0 : i32
      %sign3A_21 = arith.cmpi sgt, %jit3A_13, %sign3A_20 : i32
      %sign3A_22 = arith.extui %sign3A_21 : i1 to i32
      %sign3A_23 = arith.constant 0 : i32
      %sign3A_24 = arith.cmpi slt, %jit3A_13, %sign3A_23 : i32
      %sign3A_25 = arith.extui %sign3A_24 : i1 to i32
      %sign3A_26 = arith.subi %sign3A_22, %sign3A_25 : i32
      %ne3A_27 = arith.cmpi ne, %sign3A_19, %sign3A_26 : i32
      %rem3A_28 = arith.remsi %add3A, %jit3A_13 : i32
      %ne3A_29 = arith.constant 0 : i32
      %ne3A_30 = arith.cmpi ne, %rem3A_28, %ne3A_29 : i32
      %and3A_31 = arith.andi %ne3A_27, %ne3A_30 : i1
      %sub3A = arith.constant 1 : i32
      %sub3A_32 = arith.subi %div3A, %sub3A : i32
      %select_n3A_33 = arith.select %and3A_31, %sub3A_32, %div3A : i32
      %mul3A_34 = arith.constant 114688 : i32
      %mul3A_35 = arith.muli %select_n3A_33, %mul3A_34 : i32
      "tpu.region"() ({
        %run_scoped3A = tpu.sem_alloc : memref<!tpu.dma_semaphore, #tpu.memory_space<semaphore_mem>>
        %dma_start3A_73 = arith.constant 0 : i32
        %dma_start3A_74 = tpu.memref_slice %arg2[%select_n3A_12, %dma_start3A_73] : memref<16x10112xf32, #tpu.memory_space<hbm>> -> memref<1x10112xf32, #tpu.memory_space<hbm>>
        %dma_start3A_75 = tpu.memref_squeeze %dma_start3A_74 : memref<1x10112xf32, #tpu.memory_space<hbm>> -> memref<10112xf32, #tpu.memory_space<hbm>>
        %dma_start3A_76 = arith.constant 0 : i32
        %dma_start3A_77 = tpu.memref_slice %arg2[%select_n3A_12, %dma_start3A_76] : memref<16x10112xf32, #tpu.memory_space<hbm>> -> memref<1x10112xf32, #tpu.memory_space<hbm>>
        %dma_start3A_78 = tpu.memref_squeeze %dma_start3A_77 : memref<1x10112xf32, #tpu.memory_space<hbm>> -> memref<10112xf32, #tpu.memory_space<hbm>>
        tpu.enqueue_dma source(%dma_start3A_78 : memref<10112xf32, #tpu.memory_space<hbm>>) target(%arg7 : memref<10112xf32, #tpu.memory_space<vmem>>) target_semaphore(%run_scoped3A : memref<!tpu.dma_semaphore, #tpu.memory_space<semaphore_mem>>)
        %dma_wait3A = arith.constant 0 : i32
        %dma_wait3A_79 = tpu.memref_slice %arg2[%select_n3A_12, %dma_wait3A] : memref<16x10112xf32, #tpu.memory_space<hbm>> -> memref<1x10112xf32, #tpu.memory_space<hbm>>
        %dma_wait3A_80 = tpu.memref_squeeze %dma_wait3A_79 : memref<1x10112xf32, #tpu.memory_space<hbm>> -> memref<10112xf32, #tpu.memory_space<hbm>>
        %dma_wait3A_81 = arith.constant 0 : i32
        %dma_wait3A_82 = tpu.memref_slice %arg2[%select_n3A_12, %dma_wait3A_81] : memref<16x10112xf32, #tpu.memory_space<hbm>> -> memref<1x10112xf32, #tpu.memory_space<hbm>>
        %dma_wait3A_83 = tpu.memref_squeeze %dma_wait3A_82 : memref<1x10112xf32, #tpu.memory_space<hbm>> -> memref<10112xf32, #tpu.memory_space<hbm>>
        tpu.wait_dma2 semaphore(%run_scoped3A : memref<!tpu.dma_semaphore, #tpu.memory_space<semaphore_mem>>) src(%dma_wait3A_83 : memref<10112xf32, #tpu.memory_space<hbm>>) dst(%arg7 : memref<10112xf32, #tpu.memory_space<vmem>>)
        tpu.yield
      }) : () -> ()
      %scan3A = arith.constant 0 : i32
      %scan3A_36 = arith.constant 632 : i32
      %scan3A_37 = arith.addi %scan3A, %scan3A_36 : i32
      %scan3A_38 = arith.constant 1 : i32
      scf.for %scan3A_73 = %scan3A to %scan3A_37 step %scan3A_38  : i32 {
        %mul3A_74 = arith.constant 1 : i32
        %mul3A_75 = arith.muli %scan3A_73, %mul3A_74 : i32
        %add3A_76 = arith.constant 0 : i32
        %add3A_77 = arith.addi %add3A_76, %mul3A_75 : i32
        %broadcast_in_dim3A = arith.constant 0.000000e+00 : f32
        %broadcast_in_dim3A_78 = vector.broadcast %broadcast_in_dim3A : f32 to vector<16xf32>
        %mul3A_79 = arith.constant 16 : i32
        %mul3A_80 = arith.muli %add3A_77, %mul3A_79 : i32
        %swap3A = arith.index_cast %mul3A_80 : i32 to index
        %swap3A_81 = tpu.vector_load %arg8[%swap3A] {strides = array<i32>} : memref<10112xf32, #tpu.memory_space<vmem>>, vector<16xf32>,
        tpu.vector_store %arg8[%swap3A], %broadcast_in_dim3A_78 {strides = array<i32>} : memref<10112xf32, #tpu.memory_space<vmem>>, vector<16xf32>,
      }
      %scan3A_39 = arith.constant 632 : i32
      %add3A_40 = arith.constant 0 : i32
      %add3A_41 = arith.addi %mul3A_35, %add3A_40 : i32
      %dma_start3A = arith.constant 0 : i32
      %dma_start3A_42 = arith.constant 0 : i32
      %dma_start3A_43 = tpu.memref_slice %arg9[%dma_start3A, %dma_start3A_42] : memref<2x8192xi32, #tpu.memory_space<vmem>> -> memref<1x8192xi32, #tpu.memory_space<vmem>>
      %dma_start3A_44 = tpu.memref_squeeze %dma_start3A_43 : memref<1x8192xi32, #tpu.memory_space<vmem>> -> memref<8192xi32, #tpu.memory_space<vmem>>
      %dma_start3A_45 = tpu.memref_slice %arg3[%add3A_41] : memref<344064xi32, #tpu.memory_space<hbm>> -> memref<8192xi32, #tpu.memory_space<hbm>>
      %dma_start3A_46 = arith.constant 0 : i32
      %dma_start3A_47 = tpu.memref_slice %arg9[%dma_start3A, %dma_start3A_46] : memref<2x8192xi32, #tpu.memory_space<vmem>> -> memref<1x8192xi32, #tpu.memory_space<vmem>>
      %dma_start3A_48 = tpu.memref_squeeze %dma_start3A_47 : memref<1x8192xi32, #tpu.memory_space<vmem>> -> memref<8192xi32, #tpu.memory_space<vmem>>
      %dma_start3A_49 = tpu.memref_slice %arg3[%add3A_41] : memref<344064xi32, #tpu.memory_space<hbm>> -> memref<8192xi32, #tpu.memory_space<hbm>>
      tpu.enqueue_dma source(%dma_start3A_49 : memref<8192xi32, #tpu.memory_space<hbm>>) target(%dma_start3A_48 : memref<8192xi32, #tpu.memory_space<vmem>>) target_semaphore(%arg12 : memref<!tpu.dma_semaphore, #tpu.memory_space<semaphore_mem>>)
      %dma_start3A_50 = arith.constant 0 : i32
      %dma_start3A_51 = arith.constant 0 : i32
      %dma_start3A_52 = tpu.memref_slice %arg10[%dma_start3A_50, %dma_start3A_51] : memref<2x8192xi32, #tpu.memory_space<vmem>> -> memref<1x8192xi32, #tpu.memory_space<vmem>>
      %dma_start3A_53 = tpu.memref_squeeze %dma_start3A_52 : memref<1x8192xi32, #tpu.memory_space<vmem>> -> memref<8192xi32, #tpu.memory_space<vmem>>
      %dma_start3A_54 = tpu.memref_slice %arg4[%add3A_41] : memref<344064xi32, #tpu.memory_space<hbm>> -> memref<8192xi32, #tpu.memory_space<hbm>>
      %dma_start3A_55 = arith.constant 0 : i32
      %dma_start3A_56 = tpu.memref_slice %arg10[%dma_start3A_50, %dma_start3A_55] : memref<2x8192xi32, #tpu.memory_space<vmem>> -> memref<1x8192xi32, #tpu.memory_space<vmem>>
      %dma_start3A_57 = tpu.memref_squeeze %dma_start3A_56 : memref<1x8192xi32, #tpu.memory_space<vmem>> -> memref<8192xi32, #tpu.memory_space<vmem>>
      %dma_start3A_58 = tpu.memref_slice %arg4[%add3A_41] : memref<344064xi32, #tpu.memory_space<hbm>> -> memref<8192xi32, #tpu.memory_space<hbm>>
      tpu.enqueue_dma source(%dma_start3A_58 : memref<8192xi32, #tpu.memory_space<hbm>>) target(%dma_start3A_57 : memref<8192xi32, #tpu.memory_space<vmem>>) target_semaphore(%arg12 : memref<!tpu.dma_semaphore, #tpu.memory_space<semaphore_mem>>)
      %dma_start3A_59 = arith.constant 0 : i32
      %dma_start3A_60 = arith.constant 0 : i32
      %dma_start3A_61 = tpu.memref_slice %arg11[%dma_start3A_59, %dma_start3A_60] : memref<2x8192xf32, #tpu.memory_space<vmem>> -> memref<1x8192xf32, #tpu.memory_space<vmem>>
      %dma_start3A_62 = tpu.memref_squeeze %dma_start3A_61 : memref<1x8192xf32, #tpu.memory_space<vmem>> -> memref<8192xf32, #tpu.memory_space<vmem>>
      %dma_start3A_63 = tpu.memref_slice %arg5[%add3A_41] : memref<344064xf32, #tpu.memory_space<hbm>> -> memref<8192xf32, #tpu.memory_space<hbm>>
      %dma_start3A_64 = arith.constant 0 : i32
      %dma_start3A_65 = tpu.memref_slice %arg11[%dma_start3A_59, %dma_start3A_64] : memref<2x8192xf32, #tpu.memory_space<vmem>> -> memref<1x8192xf32, #tpu.memory_space<vmem>>
      %dma_start3A_66 = tpu.memref_squeeze %dma_start3A_65 : memref<1x8192xf32, #tpu.memory_space<vmem>> -> memref<8192xf32, #tpu.memory_space<vmem>>
      %dma_start3A_67 = tpu.memref_slice %arg5[%add3A_41] : memref<344064xf32, #tpu.memory_space<hbm>> -> memref<8192xf32, #tpu.memory_space<hbm>>
      tpu.enqueue_dma source(%dma_start3A_67 : memref<8192xf32, #tpu.memory_space<hbm>>) target(%dma_start3A_66 : memref<8192xf32, #tpu.memory_space<vmem>>) target_semaphore(%arg12 : memref<!tpu.dma_semaphore, #tpu.memory_space<semaphore_mem>>)
      %scan3A_68 = arith.constant 0 : i32
      %scan3A_69 = arith.constant 7 : i32
      %scan3A_70 = arith.addi %scan3A_68, %scan3A_69 : i32
      %scan3A_71 = arith.constant 1 : i32
      scf.for %scan3A_73 = %scan3A_68 to %scan3A_70 step %scan3A_71  : i32 {
        %mul3A_74 = arith.constant 2 : i32
        %mul3A_75 = arith.muli %scan3A_73, %mul3A_74 : i32
        %add3A_76 = arith.constant 0 : i32
        %add3A_77 = arith.addi %add3A_76, %mul3A_75 : i32
        %add3A_78 = arith.constant 1 : i32
        %add3A_79 = arith.addi %add3A_77, %add3A_78 : i32
        %mul3A_80 = arith.constant 8192 : i32
        %mul3A_81 = arith.muli %add3A_79, %mul3A_80 : i32
        %add3A_82 = arith.addi %mul3A_35, %mul3A_81 : i32
        %dma_start3A_83 = arith.constant 1 : i32
        %dma_start3A_84 = arith.constant 0 : i32
        %dma_start3A_85 = tpu.memref_slice %arg9[%dma_start3A_83, %dma_start3A_84] : memref<2x8192xi32, #tpu.memory_space<vmem>> -> memref<1x8192xi32, #tpu.memory_space<vmem>>
        %dma_start3A_86 = tpu.memref_squeeze %dma_start3A_85 : memref<1x8192xi32, #tpu.memory_space<vmem>> -> memref<8192xi32, #tpu.memory_space<vmem>>
        %dma_start3A_87 = tpu.memref_slice %arg3[%add3A_82] : memref<344064xi32, #tpu.memory_space<hbm>> -> memref<8192xi32, #tpu.memory_space<hbm>>
        %dma_start3A_88 = arith.constant 0 : i32
        %dma_start3A_89 = tpu.memref_slice %arg9[%dma_start3A_83, %dma_start3A_88] : memref<2x8192xi32, #tpu.memory_space<vmem>> -> memref<1x8192xi32, #tpu.memory_space<vmem>>
        %dma_start3A_90 = tpu.memref_squeeze %dma_start3A_89 : memref<1x8192xi32, #tpu.memory_space<vmem>> -> memref<8192xi32, #tpu.memory_space<vmem>>
        %dma_start3A_91 = tpu.memref_slice %arg3[%add3A_82] : memref<344064xi32, #tpu.memory_space<hbm>> -> memref<8192xi32, #tpu.memory_space<hbm>>
        tpu.enqueue_dma source(%dma_start3A_91 : memref<8192xi32, #tpu.memory_space<hbm>>) target(%dma_start3A_90 : memref<8192xi32, #tpu.memory_space<vmem>>) target_semaphore(%arg13 : memref<!tpu.dma_semaphore, #tpu.memory_space<semaphore_mem>>)
        %dma_start3A_92 = arith.constant 1 : i32
        %dma_start3A_93 = arith.constant 0 : i32
        %dma_start3A_94 = tpu.memref_slice %arg10[%dma_start3A_92, %dma_start3A_93] : memref<2x8192xi32, #tpu.memory_space<vmem>> -> memref<1x8192xi32, #tpu.memory_space<vmem>>
        %dma_start3A_95 = tpu.memref_squeeze %dma_start3A_94 : memref<1x8192xi32, #tpu.memory_space<vmem>> -> memref<8192xi32, #tpu.memory_space<vmem>>
        %dma_start3A_96 = tpu.memref_slice %arg4[%add3A_82] : memref<344064xi32, #tpu.memory_space<hbm>> -> memref<8192xi32, #tpu.memory_space<hbm>>
        %dma_start3A_97 = arith.constant 0 : i32
        %dma_start3A_98 = tpu.memref_slice %arg10[%dma_start3A_92, %dma_start3A_97] : memref<2x8192xi32, #tpu.memory_space<vmem>> -> memref<1x8192xi32, #tpu.memory_space<vmem>>
        %dma_start3A_99 = tpu.memref_squeeze %dma_start3A_98 : memref<1x8192xi32, #tpu.memory_space<vmem>> -> memref<8192xi32, #tpu.memory_space<vmem>>
        %dma_start3A_100 = tpu.memref_slice %arg4[%add3A_82] : memref<344064xi32, #tpu.memory_space<hbm>> -> memref<8192xi32, #tpu.memory_space<hbm>>
        tpu.enqueue_dma source(%dma_start3A_100 : memref<8192xi32, #tpu.memory_space<hbm>>) target(%dma_start3A_99 : memref<8192xi32, #tpu.memory_space<vmem>>) target_semaphore(%arg13 : memref<!tpu.dma_semaphore, #tpu.memory_space<semaphore_mem>>)
        %dma_start3A_101 = arith.constant 1 : i32
        %dma_start3A_102 = arith.constant 0 : i32
        %dma_start3A_103 = tpu.memref_slice %arg11[%dma_start3A_101, %dma_start3A_102] : memref<2x8192xf32, #tpu.memory_space<vmem>> -> memref<1x8192xf32, #tpu.memory_space<vmem>>
        %dma_start3A_104 = tpu.memref_squeeze %dma_start3A_103 : memref<1x8192xf32, #tpu.memory_space<vmem>> -> memref<8192xf32, #tpu.memory_space<vmem>>
        %dma_start3A_105 = tpu.memref_slice %arg5[%add3A_82] : memref<344064xf32, #tpu.memory_space<hbm>> -> memref<8192xf32, #tpu.memory_space<hbm>>
        %dma_start3A_106 = arith.constant 0 : i32
        %dma_start3A_107 = tpu.memref_slice %arg11[%dma_start3A_101, %dma_start3A_106] : memref<2x8192xf32, #tpu.memory_space<vmem>> -> memref<1x8192xf32, #tpu.memory_space<vmem>>
        %dma_start3A_108 = tpu.memref_squeeze %dma_start3A_107 : memref<1x8192xf32, #tpu.memory_space<vmem>> -> memref<8192xf32, #tpu.memory_space<vmem>>
        %dma_start3A_109 = tpu.memref_slice %arg5[%add3A_82] : memref<344064xf32, #tpu.memory_space<hbm>> -> memref<8192xf32, #tpu.memory_space<hbm>>
        tpu.enqueue_dma source(%dma_start3A_109 : memref<8192xf32, #tpu.memory_space<hbm>>) target(%dma_start3A_108 : memref<8192xf32, #tpu.memory_space<vmem>>) target_semaphore(%arg13 : memref<!tpu.dma_semaphore, #tpu.memory_space<semaphore_mem>>)
        %mul3A_110 = arith.constant 8192 : i32
        %mul3A_111 = arith.muli %add3A_77, %mul3A_110 : i32
        %add3A_112 = arith.addi %mul3A_35, %mul3A_111 : i32
        %dma_wait3A = arith.constant 0 : i32
        %dma_wait3A_113 = arith.constant 0 : i32
        %dma_wait3A_114 = tpu.memref_slice %arg9[%dma_wait3A, %dma_wait3A_113] : memref<2x8192xi32, #tpu.memory_space<vmem>> -> memref<1x8192xi32, #tpu.memory_space<vmem>>
        %dma_wait3A_115 = tpu.memref_squeeze %dma_wait3A_114 : memref<1x8192xi32, #tpu.memory_space<vmem>> -> memref<8192xi32, #tpu.memory_space<vmem>>
        %dma_wait3A_116 = tpu.memref_slice %arg3[%add3A_112] : memref<344064xi32, #tpu.memory_space<hbm>> -> memref<8192xi32, #tpu.memory_space<hbm>>
        %dma_wait3A_117 = arith.constant 0 : i32
        %dma_wait3A_118 = tpu.memref_slice %arg9[%dma_wait3A, %dma_wait3A_117] : memref<2x8192xi32, #tpu.memory_space<vmem>> -> memref<1x8192xi32, #tpu.memory_space<vmem>>
        %dma_wait3A_119 = tpu.memref_squeeze %dma_wait3A_118 : memref<1x8192xi32, #tpu.memory_space<vmem>> -> memref<8192xi32, #tpu.memory_space<vmem>>
        %dma_wait3A_120 = tpu.memref_slice %arg3[%add3A_112] : memref<344064xi32, #tpu.memory_space<hbm>> -> memref<8192xi32, #tpu.memory_space<hbm>>
        tpu.wait_dma2 semaphore(%arg12 : memref<!tpu.dma_semaphore, #tpu.memory_space<semaphore_mem>>) src(%dma_wait3A_120 : memref<8192xi32, #tpu.memory_space<hbm>>) dst(%dma_wait3A_119 : memref<8192xi32, #tpu.memory_space<vmem>>)
        %dma_wait3A_121 = arith.constant 0 : i32
        %dma_wait3A_122 = arith.constant 0 : i32
        %dma_wait3A_123 = tpu.memref_slice %arg10[%dma_wait3A_121, %dma_wait3A_122] : memref<2x8192xi32, #tpu.memory_space<vmem>> -> memref<1x8192xi32, #tpu.memory_space<vmem>>
        %dma_wait3A_124 = tpu.memref_squeeze %dma_wait3A_123 : memref<1x8192xi32, #tpu.memory_space<vmem>> -> memref<8192xi32, #tpu.memory_space<vmem>>
        %dma_wait3A_125 = tpu.memref_slice %arg4[%add3A_112] : memref<344064xi32, #tpu.memory_space<hbm>> -> memref<8192xi32, #tpu.memory_space<hbm>>
        %dma_wait3A_126 = arith.constant 0 : i32
        %dma_wait3A_127 = tpu.memref_slice %arg10[%dma_wait3A_121, %dma_wait3A_126] : memref<2x8192xi32, #tpu.memory_space<vmem>> -> memref<1x8192xi32, #tpu.memory_space<vmem>>
        %dma_wait3A_128 = tpu.memref_squeeze %dma_wait3A_127 : memref<1x8192xi32, #tpu.memory_space<vmem>> -> memref<8192xi32, #tpu.memory_space<vmem>>
        %dma_wait3A_129 = tpu.memref_slice %arg4[%add3A_112] : memref<344064xi32, #tpu.memory_space<hbm>> -> memref<8192xi32, #tpu.memory_space<hbm>>
        tpu.wait_dma2 semaphore(%arg12 : memref<!tpu.dma_semaphore, #tpu.memory_space<semaphore_mem>>) src(%dma_wait3A_129 : memref<8192xi32, #tpu.memory_space<hbm>>) dst(%dma_wait3A_128 : memref<8192xi32, #tpu.memory_space<vmem>>)
        %dma_wait3A_130 = arith.constant 0 : i32
        %dma_wait3A_131 = arith.constant 0 : i32
        %dma_wait3A_132 = tpu.memref_slice %arg11[%dma_wait3A_130, %dma_wait3A_131] : memref<2x8192xf32, #tpu.memory_space<vmem>> -> memref<1x8192xf32, #tpu.memory_space<vmem>>
        %dma_wait3A_133 = tpu.memref_squeeze %dma_wait3A_132 : memref<1x8192xf32, #tpu.memory_space<vmem>> -> memref<8192xf32, #tpu.memory_space<vmem>>
        %dma_wait3A_134 = tpu.memref_slice %arg5[%add3A_112] : memref<344064xf32, #tpu.memory_space<hbm>> -> memref<8192xf32, #tpu.memory_space<hbm>>
        %dma_wait3A_135 = arith.constant 0 : i32
        %dma_wait3A_136 = tpu.memref_slice %arg11[%dma_wait3A_130, %dma_wait3A_135] : memref<2x8192xf32, #tpu.memory_space<vmem>> -> memref<1x8192xf32, #tpu.memory_space<vmem>>
        %dma_wait3A_137 = tpu.memref_squeeze %dma_wait3A_136 : memref<1x8192xf32, #tpu.memory_space<vmem>> -> memref<8192xf32, #tpu.memory_space<vmem>>
        %dma_wait3A_138 = tpu.memref_slice %arg5[%add3A_112] : memref<344064xf32, #tpu.memory_space<hbm>> -> memref<8192xf32, #tpu.memory_space<hbm>>
        tpu.wait_dma2 semaphore(%arg12 : memref<!tpu.dma_semaphore, #tpu.memory_space<semaphore_mem>>) src(%dma_wait3A_138 : memref<8192xf32, #tpu.memory_space<hbm>>) dst(%dma_wait3A_137 : memref<8192xf32, #tpu.memory_space<vmem>>)
        %scan3A_139 = arith.constant 0 : i32
        %scan3A_140 = arith.constant 64 : i32
        %scan3A_141 = arith.addi %scan3A_139, %scan3A_140 : i32
        %scan3A_142 = arith.constant 1 : i32
        scf.for %scan3A_188 = %scan3A_139 to %scan3A_141 step %scan3A_142  : i32 {
          %mul3A_189 = arith.constant 1 : i32
          %mul3A_190 = arith.muli %scan3A_188, %mul3A_189 : i32
          %add3A_191 = arith.constant 0 : i32
          %add3A_192 = arith.addi %add3A_191, %mul3A_190 : i32
          %mul3A_193 = arith.constant 128 : i32
          %mul3A_194 = arith.muli %add3A_192, %mul3A_193 : i32
          %add3A_195 = arith.constant 0 : i32
          %add3A_196 = arith.addi %mul3A_194, %add3A_195 : i32
          %multiple_of3A = tpu.assume_multiple %add3A_196, 16 : i32
          %add3A_197 = arith.constant 16 : i32
          %add3A_198 = arith.addi %mul3A_194, %add3A_197 : i32
          %multiple_of3A_199 = tpu.assume_multiple %add3A_198, 16 : i32
          %add3A_200 = arith.constant 32 : i32
          %add3A_201 = arith.addi %mul3A_194, %add3A_200 : i32
          %multiple_of3A_202 = tpu.assume_multiple %add3A_201, 16 : i32
          %add3A_203 = arith.constant 48 : i32
          %add3A_204 = arith.addi %mul3A_194, %add3A_203 : i32
          %multiple_of3A_205 = tpu.assume_multiple %add3A_204, 16 : i32
          %add3A_206 = arith.constant 64 : i32
          %add3A_207 = arith.addi %mul3A_194, %add3A_206 : i32
          %multiple_of3A_208 = tpu.assume_multiple %add3A_207, 16 : i32
          %add3A_209 = arith.constant 80 : i32
          %add3A_210 = arith.addi %mul3A_194, %add3A_209 : i32
          %multiple_of3A_211 = tpu.assume_multiple %add3A_210, 16 : i32
          %add3A_212 = arith.constant 96 : i32
          %add3A_213 = arith.addi %mul3A_194, %add3A_212 : i32
          %multiple_of3A_214 = tpu.assume_multiple %add3A_213, 16 : i32
          %add3A_215 = arith.constant 112 : i32
          %add3A_216 = arith.addi %mul3A_194, %add3A_215 : i32
          %multiple_of3A_217 = tpu.assume_multiple %add3A_216, 16 : i32
          %get3A = arith.constant 0 : i32
          %get3A_218 = arith.index_cast %get3A : i32 to index
          %get3A_219 = arith.index_cast %multiple_of3A : i32 to index
          %get3A_220 = tpu.vector_load %arg9[%get3A_218, %get3A_219] {strides = array<i32>} : memref<2x8192xi32, #tpu.memory_space<vmem>>, vector<16xi32>,
          %get3A_221 = arith.constant 0 : i32
          %get3A_222 = arith.index_cast %get3A_221 : i32 to index
          %get3A_223 = arith.index_cast %multiple_of3A_199 : i32 to index
          %get3A_224 = tpu.vector_load %arg9[%get3A_222, %get3A_223] {strides = array<i32>} : memref<2x8192xi32, #tpu.memory_space<vmem>>, vector<16xi32>,
          %get3A_225 = arith.constant 0 : i32
          %get3A_226 = arith.index_cast %get3A_225 : i32 to index
          %get3A_227 = arith.index_cast %multiple_of3A_202 : i32 to index
          %get3A_228 = tpu.vector_load %arg9[%get3A_226, %get3A_227] {strides = array<i32>} : memref<2x8192xi32, #tpu.memory_space<vmem>>, vector<16xi32>,
          %get3A_229 = arith.constant 0 : i32
          %get3A_230 = arith.index_cast %get3A_229 : i32 to index
          %get3A_231 = arith.index_cast %multiple_of3A_205 : i32 to index
          %get3A_232 = tpu.vector_load %arg9[%get3A_230, %get3A_231] {strides = array<i32>} : memref<2x8192xi32, #tpu.memory_space<vmem>>, vector<16xi32>,
          %get3A_233 = arith.constant 0 : i32
          %get3A_234 = arith.index_cast %get3A_233 : i32 to index
          %get3A_235 = arith.index_cast %multiple_of3A_208 : i32 to index
          %get3A_236 = tpu.vector_load %arg9[%get3A_234, %get3A_235] {strides = array<i32>} : memref<2x8192xi32, #tpu.memory_space<vmem>>, vector<16xi32>,
          %get3A_237 = arith.constant 0 : i32
          %get3A_238 = arith.index_cast %get3A_237 : i32 to index
          %get3A_239 = arith.index_cast %multiple_of3A_211 : i32 to index
          %get3A_240 = tpu.vector_load %arg9[%get3A_238, %get3A_239] {strides = array<i32>} : memref<2x8192xi32, #tpu.memory_space<vmem>>, vector<16xi32>,
          %get3A_241 = arith.constant 0 : i32
          %get3A_242 = arith.index_cast %get3A_241 : i32 to index
          %get3A_243 = arith.index_cast %multiple_of3A_214 : i32 to index
          %get3A_244 = tpu.vector_load %arg9[%get3A_242, %get3A_243] {strides = array<i32>} : memref<2x8192xi32, #tpu.memory_space<vmem>>, vector<16xi32>,
          %get3A_245 = arith.constant 0 : i32
          %get3A_246 = arith.index_cast %get3A_245 : i32 to index
          %get3A_247 = arith.index_cast %multiple_of3A_217 : i32 to index
          %get3A_248 = tpu.vector_load %arg9[%get3A_246, %get3A_247] {strides = array<i32>} : memref<2x8192xi32, #tpu.memory_space<vmem>>, vector<16xi32>,
          %get3A_249 = arith.constant 0 : i32
          %get3A_250 = arith.index_cast %get3A_249 : i32 to index
          %get3A_251 = arith.index_cast %multiple_of3A : i32 to index
          %get3A_252 = tpu.vector_load %arg10[%get3A_250, %get3A_251] {strides = array<i32>} : memref<2x8192xi32, #tpu.memory_space<vmem>>, vector<16xi32>,
          %get3A_253 = arith.constant 0 : i32
          %get3A_254 = arith.index_cast %get3A_253 : i32 to index
          %get3A_255 = arith.index_cast %multiple_of3A_199 : i32 to index
          %get3A_256 = tpu.vector_load %arg10[%get3A_254, %get3A_255] {strides = array<i32>} : memref<2x8192xi32, #tpu.memory_space<vmem>>, vector<16xi32>,
          %get3A_257 = arith.constant 0 : i32
          %get3A_258 = arith.index_cast %get3A_257 : i32 to index
          %get3A_259 = arith.index_cast %multiple_of3A_202 : i32 to index
          %get3A_260 = tpu.vector_load %arg10[%get3A_258, %get3A_259] {strides = array<i32>} : memref<2x8192xi32, #tpu.memory_space<vmem>>, vector<16xi32>,
          %get3A_261 = arith.constant 0 : i32
          %get3A_262 = arith.index_cast %get3A_261 : i32 to index
          %get3A_263 = arith.index_cast %multiple_of3A_205 : i32 to index
          %get3A_264 = tpu.vector_load %arg10[%get3A_262, %get3A_263] {strides = array<i32>} : memref<2x8192xi32, #tpu.memory_space<vmem>>, vector<16xi32>,
          %get3A_265 = arith.constant 0 : i32
          %get3A_266 = arith.index_cast %get3A_265 : i32 to index
          %get3A_267 = arith.index_cast %multiple_of3A_208 : i32 to index
          %get3A_268 = tpu.vector_load %arg10[%get3A_266, %get3A_267] {strides = array<i32>} : memref<2x8192xi32, #tpu.memory_space<vmem>>, vector<16xi32>,
          %get3A_269 = arith.constant 0 : i32
          %get3A_270 = arith.index_cast %get3A_269 : i32 to index
          %get3A_271 = arith.index_cast %multiple_of3A_211 : i32 to index
          %get3A_272 = tpu.vector_load %arg10[%get3A_270, %get3A_271] {strides = array<i32>} : memref<2x8192xi32, #tpu.memory_space<vmem>>, vector<16xi32>,
          %get3A_273 = arith.constant 0 : i32
          %get3A_274 = arith.index_cast %get3A_273 : i32 to index
          %get3A_275 = arith.index_cast %multiple_of3A_214 : i32 to index
          %get3A_276 = tpu.vector_load %arg10[%get3A_274, %get3A_275] {strides = array<i32>} : memref<2x8192xi32, #tpu.memory_space<vmem>>, vector<16xi32>,
          %get3A_277 = arith.constant 0 : i32
          %get3A_278 = arith.index_cast %get3A_277 : i32 to index
          %get3A_279 = arith.index_cast %multiple_of3A_217 : i32 to index
          %get3A_280 = tpu.vector_load %arg10[%get3A_278, %get3A_279] {strides = array<i32>} : memref<2x8192xi32, #tpu.memory_space<vmem>>, vector<16xi32>,
          %get3A_281 = arith.constant 0 : i32
          %get3A_282 = arith.index_cast %get3A_281 : i32 to index
          %get3A_283 = arith.index_cast %multiple_of3A : i32 to index
          %get3A_284 = tpu.vector_load %arg11[%get3A_282, %get3A_283] {strides = array<i32>} : memref<2x8192xf32, #tpu.memory_space<vmem>>, vector<16xf32>,
          %get3A_285 = arith.constant 0 : i32
          %get3A_286 = arith.index_cast %get3A_285 : i32 to index
          %get3A_287 = arith.index_cast %multiple_of3A_199 : i32 to index
          %get3A_288 = tpu.vector_load %arg11[%get3A_286, %get3A_287] {strides = array<i32>} : memref<2x8192xf32, #tpu.memory_space<vmem>>, vector<16xf32>,
          %get3A_289 = arith.constant 0 : i32
          %get3A_290 = arith.index_cast %get3A_289 : i32 to index
          %get3A_291 = arith.index_cast %multiple_of3A_202 : i32 to index
          %get3A_292 = tpu.vector_load %arg11[%get3A_290, %get3A_291] {strides = array<i32>} : memref<2x8192xf32, #tpu.memory_space<vmem>>, vector<16xf32>,
          %get3A_293 = arith.constant 0 : i32
          %get3A_294 = arith.index_cast %get3A_293 : i32 to index
          %get3A_295 = arith.index_cast %multiple_of3A_205 : i32 to index
          %get3A_296 = tpu.vector_load %arg11[%get3A_294, %get3A_295] {strides = array<i32>} : memref<2x8192xf32, #tpu.memory_space<vmem>>, vector<16xf32>,
          %get3A_297 = arith.constant 0 : i32
          %get3A_298 = arith.index_cast %get3A_297 : i32 to index
          %get3A_299 = arith.index_cast %multiple_of3A_208 : i32 to index
          %get3A_300 = tpu.vector_load %arg11[%get3A_298, %get3A_299] {strides = array<i32>} : memref<2x8192xf32, #tpu.memory_space<vmem>>, vector<16xf32>,
          %get3A_301 = arith.constant 0 : i32
          %get3A_302 = arith.index_cast %get3A_301 : i32 to index
          %get3A_303 = arith.index_cast %multiple_of3A_211 : i32 to index
          %get3A_304 = tpu.vector_load %arg11[%get3A_302, %get3A_303] {strides = array<i32>} : memref<2x8192xf32, #tpu.memory_space<vmem>>, vector<16xf32>,
          %get3A_305 = arith.constant 0 : i32
          %get3A_306 = arith.index_cast %get3A_305 : i32 to index
          %get3A_307 = arith.index_cast %multiple_of3A_214 : i32 to index
          %get3A_308 = tpu.vector_load %arg11[%get3A_306, %get3A_307] {strides = array<i32>} : memref<2x8192xf32, #tpu.memory_space<vmem>>, vector<16xf32>,
          %get3A_309 = arith.constant 0 : i32
          %get3A_310 = arith.index_cast %get3A_309 : i32 to index
          %get3A_311 = arith.index_cast %multiple_of3A_217 : i32 to index
          %get3A_312 = tpu.vector_load %arg11[%get3A_310, %get3A_311] {strides = array<i32>} : memref<2x8192xf32, #tpu.memory_space<vmem>>, vector<16xf32>,
          %gather3A = tpu.vector_load_idx %arg7[%get3A_220] : memref<10112xf32, #tpu.memory_space<vmem>>[vector<16xi32>], vector<16xf32>,
          %gather3A_313 = tpu.vector_load_idx %arg7[%get3A_224] : memref<10112xf32, #tpu.memory_space<vmem>>[vector<16xi32>], vector<16xf32>,
          %gather3A_314 = tpu.vector_load_idx %arg7[%get3A_228] : memref<10112xf32, #tpu.memory_space<vmem>>[vector<16xi32>], vector<16xf32>,
          %gather3A_315 = tpu.vector_load_idx %arg7[%get3A_232] : memref<10112xf32, #tpu.memory_space<vmem>>[vector<16xi32>], vector<16xf32>,
          %gather3A_316 = tpu.vector_load_idx %arg7[%get3A_236] : memref<10112xf32, #tpu.memory_space<vmem>>[vector<16xi32>], vector<16xf32>,
          %gather3A_317 = tpu.vector_load_idx %arg7[%get3A_240] : memref<10112xf32, #tpu.memory_space<vmem>>[vector<16xi32>], vector<16xf32>,
          %gather3A_318 = tpu.vector_load_idx %arg7[%get3A_244] : memref<10112xf32, #tpu.memory_space<vmem>>[vector<16xi32>], vector<16xf32>,
          %gather3A_319 = tpu.vector_load_idx %arg7[%get3A_248] : memref<10112xf32, #tpu.memory_space<vmem>>[vector<16xi32>], vector<16xf32>,
          %mul3A_320 = arith.mulf %gather3A, %get3A_284 : vector<16xf32>
          %mul3A_321 = arith.mulf %gather3A_313, %get3A_288 : vector<16xf32>
          %mul3A_322 = arith.mulf %gather3A_314, %get3A_292 : vector<16xf32>
          %mul3A_323 = arith.mulf %gather3A_315, %get3A_296 : vector<16xf32>
          %mul3A_324 = arith.mulf %gather3A_316, %get3A_300 : vector<16xf32>
          %mul3A_325 = arith.mulf %gather3A_317, %get3A_304 : vector<16xf32>
          %mul3A_326 = arith.mulf %gather3A_318, %get3A_308 : vector<16xf32>
          %mul3A_327 = arith.mulf %gather3A_319, %get3A_312 : vector<16xf32>
          tpu.vector_store_idx %arg8[%get3A_252], %mul3A_320 {add = true} : memref<10112xf32, #tpu.memory_space<vmem>>[vector<16xi32>], vector<16xf32>,
          tpu.vector_store_idx %arg8[%get3A_256], %mul3A_321 {add = true} : memref<10112xf32, #tpu.memory_space<vmem>>[vector<16xi32>], vector<16xf32>,
          tpu.vector_store_idx %arg8[%get3A_260], %mul3A_322 {add = true} : memref<10112xf32, #tpu.memory_space<vmem>>[vector<16xi32>], vector<16xf32>,
          tpu.vector_store_idx %arg8[%get3A_264], %mul3A_323 {add = true} : memref<10112xf32, #tpu.memory_space<vmem>>[vector<16xi32>], vector<16xf32>,
          tpu.vector_store_idx %arg8[%get3A_268], %mul3A_324 {add = true} : memref<10112xf32, #tpu.memory_space<vmem>>[vector<16xi32>], vector<16xf32>,
          tpu.vector_store_idx %arg8[%get3A_272], %mul3A_325 {add = true} : memref<10112xf32, #tpu.memory_space<vmem>>[vector<16xi32>], vector<16xf32>,
          tpu.vector_store_idx %arg8[%get3A_276], %mul3A_326 {add = true} : memref<10112xf32, #tpu.memory_space<vmem>>[vector<16xi32>], vector<16xf32>,
          tpu.vector_store_idx %arg8[%get3A_280], %mul3A_327 {add = true} : memref<10112xf32, #tpu.memory_space<vmem>>[vector<16xi32>], vector<16xf32>,
        }
        %scan3A_143 = arith.constant 64 : i32
        %add3A_144 = arith.constant 2 : i32
        %add3A_145 = arith.addi %add3A_77, %add3A_144 : i32
        %lt3A_146 = arith.constant 14 : i32
        %lt3A_147 = arith.cmpi slt, %add3A_145, %lt3A_146 : i32
        %convert_element_type3A_148 = arith.extui %lt3A_147 : i1 to i32
        %cond3A_149 = arith.constant 0 : i32
        %cond3A_150 = arith.cmpi ne, %convert_element_type3A_148, %cond3A_149 : i32
        scf.if %cond3A_150 {
          %add3A_188 = arith.constant 2 : i32
          %add3A_189 = arith.addi %add3A_77, %add3A_188 : i32
          %mul3A_190 = arith.constant 8192 : i32
          %mul3A_191 = arith.muli %add3A_189, %mul3A_190 : i32
          %add3A_192 = arith.addi %mul3A_35, %mul3A_191 : i32
          %dma_start3A_193 = arith.constant 0 : i32
          %dma_start3A_194 = arith.constant 0 : i32
          %dma_start3A_195 = tpu.memref_slice %arg9[%dma_start3A_193, %dma_start3A_194] : memref<2x8192xi32, #tpu.memory_space<vmem>> -> memref<1x8192xi32, #tpu.memory_space<vmem>>
          %dma_start3A_196 = tpu.memref_squeeze %dma_start3A_195 : memref<1x8192xi32, #tpu.memory_space<vmem>> -> memref<8192xi32, #tpu.memory_space<vmem>>
          %dma_start3A_197 = tpu.memref_slice %arg3[%add3A_192] : memref<344064xi32, #tpu.memory_space<hbm>> -> memref<8192xi32, #tpu.memory_space<hbm>>
          %dma_start3A_198 = arith.constant 0 : i32
          %dma_start3A_199 = tpu.memref_slice %arg9[%dma_start3A_193, %dma_start3A_198] : memref<2x8192xi32, #tpu.memory_space<vmem>> -> memref<1x8192xi32, #tpu.memory_space<vmem>>
          %dma_start3A_200 = tpu.memref_squeeze %dma_start3A_199 : memref<1x8192xi32, #tpu.memory_space<vmem>> -> memref<8192xi32, #tpu.memory_space<vmem>>
          %dma_start3A_201 = tpu.memref_slice %arg3[%add3A_192] : memref<344064xi32, #tpu.memory_space<hbm>> -> memref<8192xi32, #tpu.memory_space<hbm>>
          tpu.enqueue_dma source(%dma_start3A_201 : memref<8192xi32, #tpu.memory_space<hbm>>) target(%dma_start3A_200 : memref<8192xi32, #tpu.memory_space<vmem>>) target_semaphore(%arg12 : memref<!tpu.dma_semaphore, #tpu.memory_space<semaphore_mem>>)
          %dma_start3A_202 = arith.constant 0 : i32
          %dma_start3A_203 = arith.constant 0 : i32
          %dma_start3A_204 = tpu.memref_slice %arg10[%dma_start3A_202, %dma_start3A_203] : memref<2x8192xi32, #tpu.memory_space<vmem>> -> memref<1x8192xi32, #tpu.memory_space<vmem>>
          %dma_start3A_205 = tpu.memref_squeeze %dma_start3A_204 : memref<1x8192xi32, #tpu.memory_space<vmem>> -> memref<8192xi32, #tpu.memory_space<vmem>>
          %dma_start3A_206 = tpu.memref_slice %arg4[%add3A_192] : memref<344064xi32, #tpu.memory_space<hbm>> -> memref<8192xi32, #tpu.memory_space<hbm>>
          %dma_start3A_207 = arith.constant 0 : i32
          %dma_start3A_208 = tpu.memref_slice %arg10[%dma_start3A_202, %dma_start3A_207] : memref<2x8192xi32, #tpu.memory_space<vmem>> -> memref<1x8192xi32, #tpu.memory_space<vmem>>
          %dma_start3A_209 = tpu.memref_squeeze %dma_start3A_208 : memref<1x8192xi32, #tpu.memory_space<vmem>> -> memref<8192xi32, #tpu.memory_space<vmem>>
          %dma_start3A_210 = tpu.memref_slice %arg4[%add3A_192] : memref<344064xi32, #tpu.memory_space<hbm>> -> memref<8192xi32, #tpu.memory_space<hbm>>
          tpu.enqueue_dma source(%dma_start3A_210 : memref<8192xi32, #tpu.memory_space<hbm>>) target(%dma_start3A_209 : memref<8192xi32, #tpu.memory_space<vmem>>) target_semaphore(%arg12 : memref<!tpu.dma_semaphore, #tpu.memory_space<semaphore_mem>>)
          %dma_start3A_211 = arith.constant 0 : i32
          %dma_start3A_212 = arith.constant 0 : i32
          %dma_start3A_213 = tpu.memref_slice %arg11[%dma_start3A_211, %dma_start3A_212] : memref<2x8192xf32, #tpu.memory_space<vmem>> -> memref<1x8192xf32, #tpu.memory_space<vmem>>
          %dma_start3A_214 = tpu.memref_squeeze %dma_start3A_213 : memref<1x8192xf32, #tpu.memory_space<vmem>> -> memref<8192xf32, #tpu.memory_space<vmem>>
          %dma_start3A_215 = tpu.memref_slice %arg5[%add3A_192] : memref<344064xf32, #tpu.memory_space<hbm>> -> memref<8192xf32, #tpu.memory_space<hbm>>
          %dma_start3A_216 = arith.constant 0 : i32
          %dma_start3A_217 = tpu.memref_slice %arg11[%dma_start3A_211, %dma_start3A_216] : memref<2x8192xf32, #tpu.memory_space<vmem>> -> memref<1x8192xf32, #tpu.memory_space<vmem>>
          %dma_start3A_218 = tpu.memref_squeeze %dma_start3A_217 : memref<1x8192xf32, #tpu.memory_space<vmem>> -> memref<8192xf32, #tpu.memory_space<vmem>>
          %dma_start3A_219 = tpu.memref_slice %arg5[%add3A_192] : memref<344064xf32, #tpu.memory_space<hbm>> -> memref<8192xf32, #tpu.memory_space<hbm>>
          tpu.enqueue_dma source(%dma_start3A_219 : memref<8192xf32, #tpu.memory_space<hbm>>) target(%dma_start3A_218 : memref<8192xf32, #tpu.memory_space<vmem>>) target_semaphore(%arg12 : memref<!tpu.dma_semaphore, #tpu.memory_space<semaphore_mem>>)
        } else {
        }
        %add3A_151 = arith.constant 1 : i32
        %add3A_152 = arith.addi %add3A_77, %add3A_151 : i32
        %mul3A_153 = arith.constant 8192 : i32
        %mul3A_154 = arith.muli %add3A_152, %mul3A_153 : i32
        %add3A_155 = arith.addi %mul3A_35, %mul3A_154 : i32
        %dma_wait3A_156 = arith.constant 1 : i32
        %dma_wait3A_157 = arith.constant 0 : i32
        %dma_wait3A_158 = tpu.memref_slice %arg9[%dma_wait3A_156, %dma_wait3A_157] : memref<2x8192xi32, #tpu.memory_space<vmem>> -> memref<1x8192xi32, #tpu.memory_space<vmem>>
        %dma_wait3A_159 = tpu.memref_squeeze %dma_wait3A_158 : memref<1x8192xi32, #tpu.memory_space<vmem>> -> memref<8192xi32, #tpu.memory_space<vmem>>
        %dma_wait3A_160 = tpu.memref_slice %arg3[%add3A_155] : memref<344064xi32, #tpu.memory_space<hbm>> -> memref<8192xi32, #tpu.memory_space<hbm>>
        %dma_wait3A_161 = arith.constant 0 : i32
        %dma_wait3A_162 = tpu.memref_slice %arg9[%dma_wait3A_156, %dma_wait3A_161] : memref<2x8192xi32, #tpu.memory_space<vmem>> -> memref<1x8192xi32, #tpu.memory_space<vmem>>
        %dma_wait3A_163 = tpu.memref_squeeze %dma_wait3A_162 : memref<1x8192xi32, #tpu.memory_space<vmem>> -> memref<8192xi32, #tpu.memory_space<vmem>>
        %dma_wait3A_164 = tpu.memref_slice %arg3[%add3A_155] : memref<344064xi32, #tpu.memory_space<hbm>> -> memref<8192xi32, #tpu.memory_space<hbm>>
        tpu.wait_dma2 semaphore(%arg13 : memref<!tpu.dma_semaphore, #tpu.memory_space<semaphore_mem>>) src(%dma_wait3A_164 : memref<8192xi32, #tpu.memory_space<hbm>>) dst(%dma_wait3A_163 : memref<8192xi32, #tpu.memory_space<vmem>>)
        %dma_wait3A_165 = arith.constant 1 : i32
        %dma_wait3A_166 = arith.constant 0 : i32
        %dma_wait3A_167 = tpu.memref_slice %arg10[%dma_wait3A_165, %dma_wait3A_166] : memref<2x8192xi32, #tpu.memory_space<vmem>> -> memref<1x8192xi32, #tpu.memory_space<vmem>>
        %dma_wait3A_168 = tpu.memref_squeeze %dma_wait3A_167 : memref<1x8192xi32, #tpu.memory_space<vmem>> -> memref<8192xi32, #tpu.memory_space<vmem>>
        %dma_wait3A_169 = tpu.memref_slice %arg4[%add3A_155] : memref<344064xi32, #tpu.memory_space<hbm>> -> memref<8192xi32, #tpu.memory_space<hbm>>
        %dma_wait3A_170 = arith.constant 0 : i32
        %dma_wait3A_171 = tpu.memref_slice %arg10[%dma_wait3A_165, %dma_wait3A_170] : memref<2x8192xi32, #tpu.memory_space<vmem>> -> memref<1x8192xi32, #tpu.memory_space<vmem>>
        %dma_wait3A_172 = tpu.memref_squeeze %dma_wait3A_171 : memref<1x8192xi32, #tpu.memory_space<vmem>> -> memref<8192xi32, #tpu.memory_space<vmem>>
        %dma_wait3A_173 = tpu.memref_slice %arg4[%add3A_155] : memref<344064xi32, #tpu.memory_space<hbm>> -> memref<8192xi32, #tpu.memory_space<hbm>>
        tpu.wait_dma2 semaphore(%arg13 : memref<!tpu.dma_semaphore, #tpu.memory_space<semaphore_mem>>) src(%dma_wait3A_173 : memref<8192xi32, #tpu.memory_space<hbm>>) dst(%dma_wait3A_172 : memref<8192xi32, #tpu.memory_space<vmem>>)
        %dma_wait3A_174 = arith.constant 1 : i32
        %dma_wait3A_175 = arith.constant 0 : i32
        %dma_wait3A_176 = tpu.memref_slice %arg11[%dma_wait3A_174, %dma_wait3A_175] : memref<2x8192xf32, #tpu.memory_space<vmem>> -> memref<1x8192xf32, #tpu.memory_space<vmem>>
        %dma_wait3A_177 = tpu.memref_squeeze %dma_wait3A_176 : memref<1x8192xf32, #tpu.memory_space<vmem>> -> memref<8192xf32, #tpu.memory_space<vmem>>
        %dma_wait3A_178 = tpu.memref_slice %arg5[%add3A_155] : memref<344064xf32, #tpu.memory_space<hbm>> -> memref<8192xf32, #tpu.memory_space<hbm>>
        %dma_wait3A_179 = arith.constant 0 : i32
        %dma_wait3A_180 = tpu.memref_slice %arg11[%dma_wait3A_174, %dma_wait3A_179] : memref<2x8192xf32, #tpu.memory_space<vmem>> -> memref<1x8192xf32, #tpu.memory_space<vmem>>
        %dma_wait3A_181 = tpu.memref_squeeze %dma_wait3A_180 : memref<1x8192xf32, #tpu.memory_space<vmem>> -> memref<8192xf32, #tpu.memory_space<vmem>>
        %dma_wait3A_182 = tpu.memref_slice %arg5[%add3A_155] : memref<344064xf32, #tpu.memory_space<hbm>> -> memref<8192xf32, #tpu.memory_space<hbm>>
        tpu.wait_dma2 semaphore(%arg13 : memref<!tpu.dma_semaphore, #tpu.memory_space<semaphore_mem>>) src(%dma_wait3A_182 : memref<8192xf32, #tpu.memory_space<hbm>>) dst(%dma_wait3A_181 : memref<8192xf32, #tpu.memory_space<vmem>>)
        %scan3A_183 = arith.constant 0 : i32
        %scan3A_184 = arith.constant 64 : i32
        %scan3A_185 = arith.addi %scan3A_183, %scan3A_184 : i32
        %scan3A_186 = arith.constant 1 : i32
        scf.for %scan3A_188 = %scan3A_183 to %scan3A_185 step %scan3A_186  : i32 {
          %mul3A_189 = arith.constant 1 : i32
          %mul3A_190 = arith.muli %scan3A_188, %mul3A_189 : i32
          %add3A_191 = arith.constant 0 : i32
          %add3A_192 = arith.addi %add3A_191, %mul3A_190 : i32
          %mul3A_193 = arith.constant 128 : i32
          %mul3A_194 = arith.muli %add3A_192, %mul3A_193 : i32
          %add3A_195 = arith.constant 0 : i32
          %add3A_196 = arith.addi %mul3A_194, %add3A_195 : i32
          %multiple_of3A = tpu.assume_multiple %add3A_196, 16 : i32
          %add3A_197 = arith.constant 16 : i32
          %add3A_198 = arith.addi %mul3A_194, %add3A_197 : i32
          %multiple_of3A_199 = tpu.assume_multiple %add3A_198, 16 : i32
          %add3A_200 = arith.constant 32 : i32
          %add3A_201 = arith.addi %mul3A_194, %add3A_200 : i32
          %multiple_of3A_202 = tpu.assume_multiple %add3A_201, 16 : i32
          %add3A_203 = arith.constant 48 : i32
          %add3A_204 = arith.addi %mul3A_194, %add3A_203 : i32
          %multiple_of3A_205 = tpu.assume_multiple %add3A_204, 16 : i32
          %add3A_206 = arith.constant 64 : i32
          %add3A_207 = arith.addi %mul3A_194, %add3A_206 : i32
          %multiple_of3A_208 = tpu.assume_multiple %add3A_207, 16 : i32
          %add3A_209 = arith.constant 80 : i32
          %add3A_210 = arith.addi %mul3A_194, %add3A_209 : i32
          %multiple_of3A_211 = tpu.assume_multiple %add3A_210, 16 : i32
          %add3A_212 = arith.constant 96 : i32
          %add3A_213 = arith.addi %mul3A_194, %add3A_212 : i32
          %multiple_of3A_214 = tpu.assume_multiple %add3A_213, 16 : i32
          %add3A_215 = arith.constant 112 : i32
          %add3A_216 = arith.addi %mul3A_194, %add3A_215 : i32
          %multiple_of3A_217 = tpu.assume_multiple %add3A_216, 16 : i32
          %get3A = arith.constant 1 : i32
          %get3A_218 = arith.index_cast %get3A : i32 to index
          %get3A_219 = arith.index_cast %multiple_of3A : i32 to index
          %get3A_220 = tpu.vector_load %arg9[%get3A_218, %get3A_219] {strides = array<i32>} : memref<2x8192xi32, #tpu.memory_space<vmem>>, vector<16xi32>,
          %get3A_221 = arith.constant 1 : i32
          %get3A_222 = arith.index_cast %get3A_221 : i32 to index
          %get3A_223 = arith.index_cast %multiple_of3A_199 : i32 to index
          %get3A_224 = tpu.vector_load %arg9[%get3A_222, %get3A_223] {strides = array<i32>} : memref<2x8192xi32, #tpu.memory_space<vmem>>, vector<16xi32>,
          %get3A_225 = arith.constant 1 : i32
          %get3A_226 = arith.index_cast %get3A_225 : i32 to index
          %get3A_227 = arith.index_cast %multiple_of3A_202 : i32 to index
          %get3A_228 = tpu.vector_load %arg9[%get3A_226, %get3A_227] {strides = array<i32>} : memref<2x8192xi32, #tpu.memory_space<vmem>>, vector<16xi32>,
          %get3A_229 = arith.constant 1 : i32
          %get3A_230 = arith.index_cast %get3A_229 : i32 to index
          %get3A_231 = arith.index_cast %multiple_of3A_205 : i32 to index
          %get3A_232 = tpu.vector_load %arg9[%get3A_230, %get3A_231] {strides = array<i32>} : memref<2x8192xi32, #tpu.memory_space<vmem>>, vector<16xi32>,
          %get3A_233 = arith.constant 1 : i32
          %get3A_234 = arith.index_cast %get3A_233 : i32 to index
          %get3A_235 = arith.index_cast %multiple_of3A_208 : i32 to index
          %get3A_236 = tpu.vector_load %arg9[%get3A_234, %get3A_235] {strides = array<i32>} : memref<2x8192xi32, #tpu.memory_space<vmem>>, vector<16xi32>,
          %get3A_237 = arith.constant 1 : i32
          %get3A_238 = arith.index_cast %get3A_237 : i32 to index
          %get3A_239 = arith.index_cast %multiple_of3A_211 : i32 to index
          %get3A_240 = tpu.vector_load %arg9[%get3A_238, %get3A_239] {strides = array<i32>} : memref<2x8192xi32, #tpu.memory_space<vmem>>, vector<16xi32>,
          %get3A_241 = arith.constant 1 : i32
          %get3A_242 = arith.index_cast %get3A_241 : i32 to index
          %get3A_243 = arith.index_cast %multiple_of3A_214 : i32 to index
          %get3A_244 = tpu.vector_load %arg9[%get3A_242, %get3A_243] {strides = array<i32>} : memref<2x8192xi32, #tpu.memory_space<vmem>>, vector<16xi32>,
          %get3A_245 = arith.constant 1 : i32
          %get3A_246 = arith.index_cast %get3A_245 : i32 to index
          %get3A_247 = arith.index_cast %multiple_of3A_217 : i32 to index
          %get3A_248 = tpu.vector_load %arg9[%get3A_246, %get3A_247] {strides = array<i32>} : memref<2x8192xi32, #tpu.memory_space<vmem>>, vector<16xi32>,
          %get3A_249 = arith.constant 1 : i32
          %get3A_250 = arith.index_cast %get3A_249 : i32 to index
          %get3A_251 = arith.index_cast %multiple_of3A : i32 to index
          %get3A_252 = tpu.vector_load %arg10[%get3A_250, %get3A_251] {strides = array<i32>} : memref<2x8192xi32, #tpu.memory_space<vmem>>, vector<16xi32>,
          %get3A_253 = arith.constant 1 : i32
          %get3A_254 = arith.index_cast %get3A_253 : i32 to index
          %get3A_255 = arith.index_cast %multiple_of3A_199 : i32 to index
          %get3A_256 = tpu.vector_load %arg10[%get3A_254, %get3A_255] {strides = array<i32>} : memref<2x8192xi32, #tpu.memory_space<vmem>>, vector<16xi32>,
          %get3A_257 = arith.constant 1 : i32
          %get3A_258 = arith.index_cast %get3A_257 : i32 to index
          %get3A_259 = arith.index_cast %multiple_of3A_202 : i32 to index
          %get3A_260 = tpu.vector_load %arg10[%get3A_258, %get3A_259] {strides = array<i32>} : memref<2x8192xi32, #tpu.memory_space<vmem>>, vector<16xi32>,
          %get3A_261 = arith.constant 1 : i32
          %get3A_262 = arith.index_cast %get3A_261 : i32 to index
          %get3A_263 = arith.index_cast %multiple_of3A_205 : i32 to index
          %get3A_264 = tpu.vector_load %arg10[%get3A_262, %get3A_263] {strides = array<i32>} : memref<2x8192xi32, #tpu.memory_space<vmem>>, vector<16xi32>,
          %get3A_265 = arith.constant 1 : i32
          %get3A_266 = arith.index_cast %get3A_265 : i32 to index
          %get3A_267 = arith.index_cast %multiple_of3A_208 : i32 to index
          %get3A_268 = tpu.vector_load %arg10[%get3A_266, %get3A_267] {strides = array<i32>} : memref<2x8192xi32, #tpu.memory_space<vmem>>, vector<16xi32>,
          %get3A_269 = arith.constant 1 : i32
          %get3A_270 = arith.index_cast %get3A_269 : i32 to index
          %get3A_271 = arith.index_cast %multiple_of3A_211 : i32 to index
          %get3A_272 = tpu.vector_load %arg10[%get3A_270, %get3A_271] {strides = array<i32>} : memref<2x8192xi32, #tpu.memory_space<vmem>>, vector<16xi32>,
          %get3A_273 = arith.constant 1 : i32
          %get3A_274 = arith.index_cast %get3A_273 : i32 to index
          %get3A_275 = arith.index_cast %multiple_of3A_214 : i32 to index
          %get3A_276 = tpu.vector_load %arg10[%get3A_274, %get3A_275] {strides = array<i32>} : memref<2x8192xi32, #tpu.memory_space<vmem>>, vector<16xi32>,
          %get3A_277 = arith.constant 1 : i32
          %get3A_278 = arith.index_cast %get3A_277 : i32 to index
          %get3A_279 = arith.index_cast %multiple_of3A_217 : i32 to index
          %get3A_280 = tpu.vector_load %arg10[%get3A_278, %get3A_279] {strides = array<i32>} : memref<2x8192xi32, #tpu.memory_space<vmem>>, vector<16xi32>,
          %get3A_281 = arith.constant 1 : i32
          %get3A_282 = arith.index_cast %get3A_281 : i32 to index
          %get3A_283 = arith.index_cast %multiple_of3A : i32 to index
          %get3A_284 = tpu.vector_load %arg11[%get3A_282, %get3A_283] {strides = array<i32>} : memref<2x8192xf32, #tpu.memory_space<vmem>>, vector<16xf32>,
          %get3A_285 = arith.constant 1 : i32
          %get3A_286 = arith.index_cast %get3A_285 : i32 to index
          %get3A_287 = arith.index_cast %multiple_of3A_199 : i32 to index
          %get3A_288 = tpu.vector_load %arg11[%get3A_286, %get3A_287] {strides = array<i32>} : memref<2x8192xf32, #tpu.memory_space<vmem>>, vector<16xf32>,
          %get3A_289 = arith.constant 1 : i32
          %get3A_290 = arith.index_cast %get3A_289 : i32 to index
          %get3A_291 = arith.index_cast %multiple_of3A_202 : i32 to index
          %get3A_292 = tpu.vector_load %arg11[%get3A_290, %get3A_291] {strides = array<i32>} : memref<2x8192xf32, #tpu.memory_space<vmem>>, vector<16xf32>,
          %get3A_293 = arith.constant 1 : i32
          %get3A_294 = arith.index_cast %get3A_293 : i32 to index
          %get3A_295 = arith.index_cast %multiple_of3A_205 : i32 to index
          %get3A_296 = tpu.vector_load %arg11[%get3A_294, %get3A_295] {strides = array<i32>} : memref<2x8192xf32, #tpu.memory_space<vmem>>, vector<16xf32>,
          %get3A_297 = arith.constant 1 : i32
          %get3A_298 = arith.index_cast %get3A_297 : i32 to index
          %get3A_299 = arith.index_cast %multiple_of3A_208 : i32 to index
          %get3A_300 = tpu.vector_load %arg11[%get3A_298, %get3A_299] {strides = array<i32>} : memref<2x8192xf32, #tpu.memory_space<vmem>>, vector<16xf32>,
          %get3A_301 = arith.constant 1 : i32
          %get3A_302 = arith.index_cast %get3A_301 : i32 to index
          %get3A_303 = arith.index_cast %multiple_of3A_211 : i32 to index
          %get3A_304 = tpu.vector_load %arg11[%get3A_302, %get3A_303] {strides = array<i32>} : memref<2x8192xf32, #tpu.memory_space<vmem>>, vector<16xf32>,
          %get3A_305 = arith.constant 1 : i32
          %get3A_306 = arith.index_cast %get3A_305 : i32 to index
          %get3A_307 = arith.index_cast %multiple_of3A_214 : i32 to index
          %get3A_308 = tpu.vector_load %arg11[%get3A_306, %get3A_307] {strides = array<i32>} : memref<2x8192xf32, #tpu.memory_space<vmem>>, vector<16xf32>,
          %get3A_309 = arith.constant 1 : i32
          %get3A_310 = arith.index_cast %get3A_309 : i32 to index
          %get3A_311 = arith.index_cast %multiple_of3A_217 : i32 to index
          %get3A_312 = tpu.vector_load %arg11[%get3A_310, %get3A_311] {strides = array<i32>} : memref<2x8192xf32, #tpu.memory_space<vmem>>, vector<16xf32>,
          %gather3A = tpu.vector_load_idx %arg7[%get3A_220] : memref<10112xf32, #tpu.memory_space<vmem>>[vector<16xi32>], vector<16xf32>,
          %gather3A_313 = tpu.vector_load_idx %arg7[%get3A_224] : memref<10112xf32, #tpu.memory_space<vmem>>[vector<16xi32>], vector<16xf32>,
          %gather3A_314 = tpu.vector_load_idx %arg7[%get3A_228] : memref<10112xf32, #tpu.memory_space<vmem>>[vector<16xi32>], vector<16xf32>,
          %gather3A_315 = tpu.vector_load_idx %arg7[%get3A_232] : memref<10112xf32, #tpu.memory_space<vmem>>[vector<16xi32>], vector<16xf32>,
          %gather3A_316 = tpu.vector_load_idx %arg7[%get3A_236] : memref<10112xf32, #tpu.memory_space<vmem>>[vector<16xi32>], vector<16xf32>,
          %gather3A_317 = tpu.vector_load_idx %arg7[%get3A_240] : memref<10112xf32, #tpu.memory_space<vmem>>[vector<16xi32>], vector<16xf32>,
          %gather3A_318 = tpu.vector_load_idx %arg7[%get3A_244] : memref<10112xf32, #tpu.memory_space<vmem>>[vector<16xi32>], vector<16xf32>,
          %gather3A_319 = tpu.vector_load_idx %arg7[%get3A_248] : memref<10112xf32, #tpu.memory_space<vmem>>[vector<16xi32>], vector<16xf32>,
          %mul3A_320 = arith.mulf %gather3A, %get3A_284 : vector<16xf32>
          %mul3A_321 = arith.mulf %gather3A_313, %get3A_288 : vector<16xf32>
          %mul3A_322 = arith.mulf %gather3A_314, %get3A_292 : vector<16xf32>
          %mul3A_323 = arith.mulf %gather3A_315, %get3A_296 : vector<16xf32>
          %mul3A_324 = arith.mulf %gather3A_316, %get3A_300 : vector<16xf32>
          %mul3A_325 = arith.mulf %gather3A_317, %get3A_304 : vector<16xf32>
          %mul3A_326 = arith.mulf %gather3A_318, %get3A_308 : vector<16xf32>
          %mul3A_327 = arith.mulf %gather3A_319, %get3A_312 : vector<16xf32>
          tpu.vector_store_idx %arg8[%get3A_252], %mul3A_320 {add = true} : memref<10112xf32, #tpu.memory_space<vmem>>[vector<16xi32>], vector<16xf32>,
          tpu.vector_store_idx %arg8[%get3A_256], %mul3A_321 {add = true} : memref<10112xf32, #tpu.memory_space<vmem>>[vector<16xi32>], vector<16xf32>,
          tpu.vector_store_idx %arg8[%get3A_260], %mul3A_322 {add = true} : memref<10112xf32, #tpu.memory_space<vmem>>[vector<16xi32>], vector<16xf32>,
          tpu.vector_store_idx %arg8[%get3A_264], %mul3A_323 {add = true} : memref<10112xf32, #tpu.memory_space<vmem>>[vector<16xi32>], vector<16xf32>,
          tpu.vector_store_idx %arg8[%get3A_268], %mul3A_324 {add = true} : memref<10112xf32, #tpu.memory_space<vmem>>[vector<16xi32>], vector<16xf32>,
          tpu.vector_store_idx %arg8[%get3A_272], %mul3A_325 {add = true} : memref<10112xf32, #tpu.memory_space<vmem>>[vector<16xi32>], vector<16xf32>,
          tpu.vector_store_idx %arg8[%get3A_276], %mul3A_326 {add = true} : memref<10112xf32, #tpu.memory_space<vmem>>[vector<16xi32>], vector<16xf32>,
          tpu.vector_store_idx %arg8[%get3A_280], %mul3A_327 {add = true} : memref<10112xf32, #tpu.memory_space<vmem>>[vector<16xi32>], vector<16xf32>,
        }
        %scan3A_187 = arith.constant 64 : i32
      }
      %scan3A_72 = arith.constant 7 : i32
      "tpu.region"() ({
        %run_scoped3A = tpu.sem_alloc : memref<!tpu.dma_semaphore, #tpu.memory_space<semaphore_mem>>
        %dma_start3A_73 = arith.constant 0 : i32
        %dma_start3A_74 = tpu.memref_slice %arg6[%select_n3A_33, %select_n3A_12, %dma_start3A_73] : memref<3x16x10112xf32, #tpu.memory_space<hbm>> -> memref<1x1x10112xf32, #tpu.memory_space<hbm>>
        %dma_start3A_75 = tpu.memref_squeeze %dma_start3A_74 : memref<1x1x10112xf32, #tpu.memory_space<hbm>> -> memref<10112xf32, #tpu.memory_space<hbm>>
        %dma_start3A_76 = arith.constant 0 : i32
        %dma_start3A_77 = tpu.memref_slice %arg6[%select_n3A_33, %select_n3A_12, %dma_start3A_76] : memref<3x16x10112xf32, #tpu.memory_space<hbm>> -> memref<1x1x10112xf32, #tpu.memory_space<hbm>>
        %dma_start3A_78 = tpu.memref_squeeze %dma_start3A_77 : memref<1x1x10112xf32, #tpu.memory_space<hbm>> -> memref<10112xf32, #tpu.memory_space<hbm>>
        tpu.enqueue_dma source(%arg8 : memref<10112xf32, #tpu.memory_space<vmem>>) target(%dma_start3A_78 : memref<10112xf32, #tpu.memory_space<hbm>>) target_semaphore(%run_scoped3A : memref<!tpu.dma_semaphore, #tpu.memory_space<semaphore_mem>>)
        %dma_wait3A = arith.constant 0 : i32
        %dma_wait3A_79 = tpu.memref_slice %arg6[%select_n3A_33, %select_n3A_12, %dma_wait3A] : memref<3x16x10112xf32, #tpu.memory_space<hbm>> -> memref<1x1x10112xf32, #tpu.memory_space<hbm>>
        %dma_wait3A_80 = tpu.memref_squeeze %dma_wait3A_79 : memref<1x1x10112xf32, #tpu.memory_space<hbm>> -> memref<10112xf32, #tpu.memory_space<hbm>>
        %dma_wait3A_81 = arith.constant 0 : i32
        %dma_wait3A_82 = tpu.memref_slice %arg6[%select_n3A_33, %select_n3A_12, %dma_wait3A_81] : memref<3x16x10112xf32, #tpu.memory_space<hbm>> -> memref<1x1x10112xf32, #tpu.memory_space<hbm>>
        %dma_wait3A_83 = tpu.memref_squeeze %dma_wait3A_82 : memref<1x1x10112xf32, #tpu.memory_space<hbm>> -> memref<10112xf32, #tpu.memory_space<hbm>>
        tpu.wait_dma2 semaphore(%run_scoped3A : memref<!tpu.dma_semaphore, #tpu.memory_space<semaphore_mem>>) src(%arg8 : memref<10112xf32, #tpu.memory_space<vmem>>) dst(%dma_wait3A_83 : memref<10112xf32, #tpu.memory_space<hbm>>)
        tpu.yield
      }) : () -> ()
    } else {
    }
    return
  }
}

#map = affine_map<(d0, d1) -> (0, 0)>
#map1 = affine_map<(d0, d1) -> (0)>
#map2 = affine_map<(d0, d1) -> (0, 0, 0)>
module attributes {stable_mosaic.version = 14 : i64} {
  func.func @sc_kernel(%arg0: i32, %arg1: i32, %arg2: memref<16x10112xf32, #tpu.memory_space<hbm>>, %arg3: memref<344064xi32, #tpu.memory_space<hbm>>, %arg4: memref<344064xi32, #tpu.memory_space<hbm>>, %arg5: memref<344064xf32, #tpu.memory_space<hbm>>, %arg6: memref<3x16x10112xf32, #tpu.memory_space<hbm>>, %arg7: memref<10112xf32, #tpu.memory_space<vmem>>, %arg8: memref<10112xf32, #tpu.memory_space<vmem>>, %arg9: memref<2x8192xi32, #tpu.memory_space<vmem>>, %arg10: memref<2x8192xi32, #tpu.memory_space<vmem>>, %arg11: memref<2x8192xf32, #tpu.memory_space<vmem>>, %arg12: memref<!tpu.dma_semaphore, #tpu.memory_space<semaphore_mem>>, %arg13: memref<!tpu.dma_semaphore, #tpu.memory_space<semaphore_mem>>) attributes {dimension_semantics = [#tpu.dimension_semantics<core_parallel>, #tpu.dimension_semantics<subcore_parallel>], iteration_bounds = array<i64: 2, 16>, scalar_prefetch = 0 : i64, scratch_operands = 7 : i64, tpu.core_type = #tpu.core_type<sc_vector_subcore>, window_params = [{transform_indices = #map}, {transform_indices = #map1}, {transform_indices = #map1}, {transform_indices = #map1}, {transform_indices = #map2}]} {
    %mul3A = arith.constant 2 : i32
    %mul3A_0 = arith.muli %arg1, %mul3A : i32
    %add3A = arith.addi %mul3A_0, %arg0 : i32
    %lt3A = arith.constant 30 : i32
    %lt3A_1 = arith.cmpi slt, %add3A, %lt3A : i32
    %convert_element_type3A = arith.extui %lt3A_1 : i1 to i32
    %cond3A = arith.constant 0 : i32
    %cond3A_2 = arith.cmpi ne, %convert_element_type3A, %cond3A : i32
    scf.if %cond3A_2 {
      %jit3A = arith.constant 10 : i32
      %eq3A = arith.constant 0 : i32
      %eq3A_3 = arith.cmpi eq, %jit3A, %eq3A : i32
      %jit3A_4 = arith.constant 1 : i32
      %select_n3A = arith.select %eq3A_3, %jit3A_4, %jit3A : i32
      %rem3A = arith.remsi %add3A, %select_n3A : i32
      %ne3A = arith.constant 0 : i32
      %ne3A_5 = arith.cmpi ne, %rem3A, %ne3A : i32
      %lt3A_6 = arith.constant 0 : i32
      %lt3A_7 = arith.cmpi slt, %rem3A, %lt3A_6 : i32
      %lt3A_8 = arith.constant 0 : i32
      %lt3A_9 = arith.cmpi slt, %select_n3A, %lt3A_8 : i32
      %ne3A_10 = arith.xori %lt3A_7, %lt3A_9 : i1
      %and3A = arith.andi %ne3A_10, %ne3A_5 : i1
      %add3A_11 = arith.addi %rem3A, %select_n3A : i32
      %select_n3A_12 = arith.select %and3A, %add3A_11, %rem3A : i32
      %jit3A_13 = arith.constant 10 : i32
      %div3A = arith.divsi %add3A, %jit3A_13 : i32
      %sign3A = arith.constant 0 : i32
      %sign3A_14 = arith.cmpi sgt, %add3A, %sign3A : i32
      %sign3A_15 = arith.extui %sign3A_14 : i1 to i32
      %sign3A_16 = arith.constant 0 : i32
      %sign3A_17 = arith.cmpi slt, %add3A, %sign3A_16 : i32
      %sign3A_18 = arith.extui %sign3A_17 : i1 to i32
      %sign3A_19 = arith.subi %sign3A_15, %sign3A_18 : i32
      %sign3A_20 = arith.constant 0 : i32
      %sign3A_21 = arith.cmpi sgt, %jit3A_13, %sign3A_20 : i32
      %sign3A_22 = arith.extui %sign3A_21 : i1 to i32
      %sign3A_23 = arith.constant 0 : i32
      %sign3A_24 = arith.cmpi slt, %jit3A_13, %sign3A_23 : i32
      %sign3A_25 = arith.extui %sign3A_24 : i1 to i32
      %sign3A_26 = arith.subi %sign3A_22, %sign3A_25 : i32
      %ne3A_27 = arith.cmpi ne, %sign3A_19, %sign3A_26 : i32
      %rem3A_28 = arith.remsi %add3A, %jit3A_13 : i32
      %ne3A_29 = arith.constant 0 : i32
      %ne3A_30 = arith.cmpi ne, %rem3A_28, %ne3A_29 : i32
      %and3A_31 = arith.andi %ne3A_27, %ne3A_30 : i1
      %sub3A = arith.constant 1 : i32
      %sub3A_32 = arith.subi %div3A, %sub3A : i32
      %select_n3A_33 = arith.select %and3A_31, %sub3A_32, %div3A : i32
      %mul3A_34 = arith.constant 114688 : i32
      %mul3A_35 = arith.muli %select_n3A_33, %mul3A_34 : i32
      "tpu.region"() ({
        %run_scoped3A = tpu.sem_alloc : memref<!tpu.dma_semaphore, #tpu.memory_space<semaphore_mem>>
        %dma_start3A_73 = arith.constant 0 : i32
        %dma_start3A_74 = tpu.memref_slice %arg2[%select_n3A_12, %dma_start3A_73] : memref<16x10112xf32, #tpu.memory_space<hbm>> -> memref<1x10112xf32, #tpu.memory_space<hbm>>
        %dma_start3A_75 = tpu.memref_squeeze %dma_start3A_74 : memref<1x10112xf32, #tpu.memory_space<hbm>> -> memref<10112xf32, #tpu.memory_space<hbm>>
        %dma_start3A_76 = arith.constant 0 : i32
        %dma_start3A_77 = tpu.memref_slice %arg2[%select_n3A_12, %dma_start3A_76] : memref<16x10112xf32, #tpu.memory_space<hbm>> -> memref<1x10112xf32, #tpu.memory_space<hbm>>
        %dma_start3A_78 = tpu.memref_squeeze %dma_start3A_77 : memref<1x10112xf32, #tpu.memory_space<hbm>> -> memref<10112xf32, #tpu.memory_space<hbm>>
        tpu.enqueue_dma source(%dma_start3A_78 : memref<10112xf32, #tpu.memory_space<hbm>>) target(%arg7 : memref<10112xf32, #tpu.memory_space<vmem>>) target_semaphore(%run_scoped3A : memref<!tpu.dma_semaphore, #tpu.memory_space<semaphore_mem>>)
        %dma_wait3A = arith.constant 0 : i32
        %dma_wait3A_79 = tpu.memref_slice %arg2[%select_n3A_12, %dma_wait3A] : memref<16x10112xf32, #tpu.memory_space<hbm>> -> memref<1x10112xf32, #tpu.memory_space<hbm>>
        %dma_wait3A_80 = tpu.memref_squeeze %dma_wait3A_79 : memref<1x10112xf32, #tpu.memory_space<hbm>> -> memref<10112xf32, #tpu.memory_space<hbm>>
        %dma_wait3A_81 = arith.constant 0 : i32
        %dma_wait3A_82 = tpu.memref_slice %arg2[%select_n3A_12, %dma_wait3A_81] : memref<16x10112xf32, #tpu.memory_space<hbm>> -> memref<1x10112xf32, #tpu.memory_space<hbm>>
        %dma_wait3A_83 = tpu.memref_squeeze %dma_wait3A_82 : memref<1x10112xf32, #tpu.memory_space<hbm>> -> memref<10112xf32, #tpu.memory_space<hbm>>
        tpu.wait_dma2 semaphore(%run_scoped3A : memref<!tpu.dma_semaphore, #tpu.memory_space<semaphore_mem>>) src(%dma_wait3A_83 : memref<10112xf32, #tpu.memory_space<hbm>>) dst(%arg7 : memref<10112xf32, #tpu.memory_space<vmem>>)
        tpu.yield
      }) : () -> ()
      %scan3A = arith.constant 0 : i32
      %scan3A_36 = arith.constant 632 : i32
      %scan3A_37 = arith.addi %scan3A, %scan3A_36 : i32
      %scan3A_38 = arith.constant 1 : i32
      scf.for %scan3A_73 = %scan3A to %scan3A_37 step %scan3A_38  : i32 {
        %mul3A_74 = arith.constant 1 : i32
        %mul3A_75 = arith.muli %scan3A_73, %mul3A_74 : i32
        %add3A_76 = arith.constant 0 : i32
        %add3A_77 = arith.addi %add3A_76, %mul3A_75 : i32
        %broadcast_in_dim3A = arith.constant 0.000000e+00 : f32
        %broadcast_in_dim3A_78 = vector.broadcast %broadcast_in_dim3A : f32 to vector<16xf32>
        %mul3A_79 = arith.constant 16 : i32
        %mul3A_80 = arith.muli %add3A_77, %mul3A_79 : i32
        %swap3A = arith.index_cast %mul3A_80 : i32 to index
        %swap3A_81 = tpu.vector_load %arg8[%swap3A] {strides = array<i32>} : memref<10112xf32, #tpu.memory_space<vmem>>, vector<16xf32>,
        tpu.vector_store %arg8[%swap3A], %broadcast_in_dim3A_78 {strides = array<i32>} : memref<10112xf32, #tpu.memory_space<vmem>>, vector<16xf32>,
      }
      %scan3A_39 = arith.constant 632 : i32
      %add3A_40 = arith.constant 0 : i32
      %add3A_41 = arith.addi %mul3A_35, %add3A_40 : i32
      %dma_start3A = arith.constant 0 : i32
      %dma_start3A_42 = arith.constant 0 : i32
      %dma_start3A_43 = tpu.memref_slice %arg9[%dma_start3A, %dma_start3A_42] : memref<2x8192xi32, #tpu.memory_space<vmem>> -> memref<1x8192xi32, #tpu.memory_space<vmem>>
      %dma_start3A_44 = tpu.memref_squeeze %dma_start3A_43 : memref<1x8192xi32, #tpu.memory_space<vmem>> -> memref<8192xi32, #tpu.memory_space<vmem>>
      %dma_start3A_45 = tpu.memref_slice %arg3[%add3A_41] : memref<344064xi32, #tpu.memory_space<hbm>> -> memref<8192xi32, #tpu.memory_space<hbm>>
      %dma_start3A_46 = arith.constant 0 : i32
      %dma_start3A_47 = tpu.memref_slice %arg9[%dma_start3A, %dma_start3A_46] : memref<2x8192xi32, #tpu.memory_space<vmem>> -> memref<1x8192xi32, #tpu.memory_space<vmem>>
      %dma_start3A_48 = tpu.memref_squeeze %dma_start3A_47 : memref<1x8192xi32, #tpu.memory_space<vmem>> -> memref<8192xi32, #tpu.memory_space<vmem>>
      %dma_start3A_49 = tpu.memref_slice %arg3[%add3A_41] : memref<344064xi32, #tpu.memory_space<hbm>> -> memref<8192xi32, #tpu.memory_space<hbm>>
      tpu.enqueue_dma source(%dma_start3A_49 : memref<8192xi32, #tpu.memory_space<hbm>>) target(%dma_start3A_48 : memref<8192xi32, #tpu.memory_space<vmem>>) target_semaphore(%arg12 : memref<!tpu.dma_semaphore, #tpu.memory_space<semaphore_mem>>)
      %dma_start3A_50 = arith.constant 0 : i32
      %dma_start3A_51 = arith.constant 0 : i32
      %dma_start3A_52 = tpu.memref_slice %arg10[%dma_start3A_50, %dma_start3A_51] : memref<2x8192xi32, #tpu.memory_space<vmem>> -> memref<1x8192xi32, #tpu.memory_space<vmem>>
      %dma_start3A_53 = tpu.memref_squeeze %dma_start3A_52 : memref<1x8192xi32, #tpu.memory_space<vmem>> -> memref<8192xi32, #tpu.memory_space<vmem>>
      %dma_start3A_54 = tpu.memref_slice %arg4[%add3A_41] : memref<344064xi32, #tpu.memory_space<hbm>> -> memref<8192xi32, #tpu.memory_space<hbm>>
      %dma_start3A_55 = arith.constant 0 : i32
      %dma_start3A_56 = tpu.memref_slice %arg10[%dma_start3A_50, %dma_start3A_55] : memref<2x8192xi32, #tpu.memory_space<vmem>> -> memref<1x8192xi32, #tpu.memory_space<vmem>>
      %dma_start3A_57 = tpu.memref_squeeze %dma_start3A_56 : memref<1x8192xi32, #tpu.memory_space<vmem>> -> memref<8192xi32, #tpu.memory_space<vmem>>
      %dma_start3A_58 = tpu.memref_slice %arg4[%add3A_41] : memref<344064xi32, #tpu.memory_space<hbm>> -> memref<8192xi32, #tpu.memory_space<hbm>>
      tpu.enqueue_dma source(%dma_start3A_58 : memref<8192xi32, #tpu.memory_space<hbm>>) target(%dma_start3A_57 : memref<8192xi32, #tpu.memory_space<vmem>>) target_semaphore(%arg12 : memref<!tpu.dma_semaphore, #tpu.memory_space<semaphore_mem>>)
      %dma_start3A_59 = arith.constant 0 : i32
      %dma_start3A_60 = arith.constant 0 : i32
      %dma_start3A_61 = tpu.memref_slice %arg11[%dma_start3A_59, %dma_start3A_60] : memref<2x8192xf32, #tpu.memory_space<vmem>> -> memref<1x8192xf32, #tpu.memory_space<vmem>>
      %dma_start3A_62 = tpu.memref_squeeze %dma_start3A_61 : memref<1x8192xf32, #tpu.memory_space<vmem>> -> memref<8192xf32, #tpu.memory_space<vmem>>
      %dma_start3A_63 = tpu.memref_slice %arg5[%add3A_41] : memref<344064xf32, #tpu.memory_space<hbm>> -> memref<8192xf32, #tpu.memory_space<hbm>>
      %dma_start3A_64 = arith.constant 0 : i32
      %dma_start3A_65 = tpu.memref_slice %arg11[%dma_start3A_59, %dma_start3A_64] : memref<2x8192xf32, #tpu.memory_space<vmem>> -> memref<1x8192xf32, #tpu.memory_space<vmem>>
      %dma_start3A_66 = tpu.memref_squeeze %dma_start3A_65 : memref<1x8192xf32, #tpu.memory_space<vmem>> -> memref<8192xf32, #tpu.memory_space<vmem>>
      %dma_start3A_67 = tpu.memref_slice %arg5[%add3A_41] : memref<344064xf32, #tpu.memory_space<hbm>> -> memref<8192xf32, #tpu.memory_space<hbm>>
      tpu.enqueue_dma source(%dma_start3A_67 : memref<8192xf32, #tpu.memory_space<hbm>>) target(%dma_start3A_66 : memref<8192xf32, #tpu.memory_space<vmem>>) target_semaphore(%arg12 : memref<!tpu.dma_semaphore, #tpu.memory_space<semaphore_mem>>)
      %scan3A_68 = arith.constant 0 : i32
      %scan3A_69 = arith.constant 7 : i32
      %scan3A_70 = arith.addi %scan3A_68, %scan3A_69 : i32
      %scan3A_71 = arith.constant 1 : i32
      scf.for %scan3A_73 = %scan3A_68 to %scan3A_70 step %scan3A_71  : i32 {
        %mul3A_74 = arith.constant 2 : i32
        %mul3A_75 = arith.muli %scan3A_73, %mul3A_74 : i32
        %add3A_76 = arith.constant 0 : i32
        %add3A_77 = arith.addi %add3A_76, %mul3A_75 : i32
        %add3A_78 = arith.constant 1 : i32
        %add3A_79 = arith.addi %add3A_77, %add3A_78 : i32
        %mul3A_80 = arith.constant 8192 : i32
        %mul3A_81 = arith.muli %add3A_79, %mul3A_80 : i32
        %add3A_82 = arith.addi %mul3A_35, %mul3A_81 : i32
        %dma_start3A_83 = arith.constant 1 : i32
        %dma_start3A_84 = arith.constant 0 : i32
        %dma_start3A_85 = tpu.memref_slice %arg9[%dma_start3A_83, %dma_start3A_84] : memref<2x8192xi32, #tpu.memory_space<vmem>> -> memref<1x8192xi32, #tpu.memory_space<vmem>>
        %dma_start3A_86 = tpu.memref_squeeze %dma_start3A_85 : memref<1x8192xi32, #tpu.memory_space<vmem>> -> memref<8192xi32, #tpu.memory_space<vmem>>
        %dma_start3A_87 = tpu.memref_slice %arg3[%add3A_82] : memref<344064xi32, #tpu.memory_space<hbm>> -> memref<8192xi32, #tpu.memory_space<hbm>>
        %dma_start3A_88 = arith.constant 0 : i32
        %dma_start3A_89 = tpu.memref_slice %arg9[%dma_start3A_83, %dma_start3A_88] : memref<2x8192xi32, #tpu.memory_space<vmem>> -> memref<1x8192xi32, #tpu.memory_space<vmem>>
        %dma_start3A_90 = tpu.memref_squeeze %dma_start3A_89 : memref<1x8192xi32, #tpu.memory_space<vmem>> -> memref<8192xi32, #tpu.memory_space<vmem>>
        %dma_start3A_91 = tpu.memref_slice %arg3[%add3A_82] : memref<344064xi32, #tpu.memory_space<hbm>> -> memref<8192xi32, #tpu.memory_space<hbm>>
        tpu.enqueue_dma source(%dma_start3A_91 : memref<8192xi32, #tpu.memory_space<hbm>>) target(%dma_start3A_90 : memref<8192xi32, #tpu.memory_space<vmem>>) target_semaphore(%arg13 : memref<!tpu.dma_semaphore, #tpu.memory_space<semaphore_mem>>)
        %dma_start3A_92 = arith.constant 1 : i32
        %dma_start3A_93 = arith.constant 0 : i32
        %dma_start3A_94 = tpu.memref_slice %arg10[%dma_start3A_92, %dma_start3A_93] : memref<2x8192xi32, #tpu.memory_space<vmem>> -> memref<1x8192xi32, #tpu.memory_space<vmem>>
        %dma_start3A_95 = tpu.memref_squeeze %dma_start3A_94 : memref<1x8192xi32, #tpu.memory_space<vmem>> -> memref<8192xi32, #tpu.memory_space<vmem>>
        %dma_start3A_96 = tpu.memref_slice %arg4[%add3A_82] : memref<344064xi32, #tpu.memory_space<hbm>> -> memref<8192xi32, #tpu.memory_space<hbm>>
        %dma_start3A_97 = arith.constant 0 : i32
        %dma_start3A_98 = tpu.memref_slice %arg10[%dma_start3A_92, %dma_start3A_97] : memref<2x8192xi32, #tpu.memory_space<vmem>> -> memref<1x8192xi32, #tpu.memory_space<vmem>>
        %dma_start3A_99 = tpu.memref_squeeze %dma_start3A_98 : memref<1x8192xi32, #tpu.memory_space<vmem>> -> memref<8192xi32, #tpu.memory_space<vmem>>
        %dma_start3A_100 = tpu.memref_slice %arg4[%add3A_82] : memref<344064xi32, #tpu.memory_space<hbm>> -> memref<8192xi32, #tpu.memory_space<hbm>>
        tpu.enqueue_dma source(%dma_start3A_100 : memref<8192xi32, #tpu.memory_space<hbm>>) target(%dma_start3A_99 : memref<8192xi32, #tpu.memory_space<vmem>>) target_semaphore(%arg13 : memref<!tpu.dma_semaphore, #tpu.memory_space<semaphore_mem>>)
        %dma_start3A_101 = arith.constant 1 : i32
        %dma_start3A_102 = arith.constant 0 : i32
        %dma_start3A_103 = tpu.memref_slice %arg11[%dma_start3A_101, %dma_start3A_102] : memref<2x8192xf32, #tpu.memory_space<vmem>> -> memref<1x8192xf32, #tpu.memory_space<vmem>>
        %dma_start3A_104 = tpu.memref_squeeze %dma_start3A_103 : memref<1x8192xf32, #tpu.memory_space<vmem>> -> memref<8192xf32, #tpu.memory_space<vmem>>
        %dma_start3A_105 = tpu.memref_slice %arg5[%add3A_82] : memref<344064xf32, #tpu.memory_space<hbm>> -> memref<8192xf32, #tpu.memory_space<hbm>>
        %dma_start3A_106 = arith.constant 0 : i32
        %dma_start3A_107 = tpu.memref_slice %arg11[%dma_start3A_101, %dma_start3A_106] : memref<2x8192xf32, #tpu.memory_space<vmem>> -> memref<1x8192xf32, #tpu.memory_space<vmem>>
        %dma_start3A_108 = tpu.memref_squeeze %dma_start3A_107 : memref<1x8192xf32, #tpu.memory_space<vmem>> -> memref<8192xf32, #tpu.memory_space<vmem>>
        %dma_start3A_109 = tpu.memref_slice %arg5[%add3A_82] : memref<344064xf32, #tpu.memory_space<hbm>> -> memref<8192xf32, #tpu.memory_space<hbm>>
        tpu.enqueue_dma source(%dma_start3A_109 : memref<8192xf32, #tpu.memory_space<hbm>>) target(%dma_start3A_108 : memref<8192xf32, #tpu.memory_space<vmem>>) target_semaphore(%arg13 : memref<!tpu.dma_semaphore, #tpu.memory_space<semaphore_mem>>)
        %mul3A_110 = arith.constant 8192 : i32
        %mul3A_111 = arith.muli %add3A_77, %mul3A_110 : i32
        %add3A_112 = arith.addi %mul3A_35, %mul3A_111 : i32
        %dma_wait3A = arith.constant 0 : i32
        %dma_wait3A_113 = arith.constant 0 : i32
        %dma_wait3A_114 = tpu.memref_slice %arg9[%dma_wait3A, %dma_wait3A_113] : memref<2x8192xi32, #tpu.memory_space<vmem>> -> memref<1x8192xi32, #tpu.memory_space<vmem>>
        %dma_wait3A_115 = tpu.memref_squeeze %dma_wait3A_114 : memref<1x8192xi32, #tpu.memory_space<vmem>> -> memref<8192xi32, #tpu.memory_space<vmem>>
        %dma_wait3A_116 = tpu.memref_slice %arg3[%add3A_112] : memref<344064xi32, #tpu.memory_space<hbm>> -> memref<8192xi32, #tpu.memory_space<hbm>>
        %dma_wait3A_117 = arith.constant 0 : i32
        %dma_wait3A_118 = tpu.memref_slice %arg9[%dma_wait3A, %dma_wait3A_117] : memref<2x8192xi32, #tpu.memory_space<vmem>> -> memref<1x8192xi32, #tpu.memory_space<vmem>>
        %dma_wait3A_119 = tpu.memref_squeeze %dma_wait3A_118 : memref<1x8192xi32, #tpu.memory_space<vmem>> -> memref<8192xi32, #tpu.memory_space<vmem>>
        %dma_wait3A_120 = tpu.memref_slice %arg3[%add3A_112] : memref<344064xi32, #tpu.memory_space<hbm>> -> memref<8192xi32, #tpu.memory_space<hbm>>
        tpu.wait_dma2 semaphore(%arg12 : memref<!tpu.dma_semaphore, #tpu.memory_space<semaphore_mem>>) src(%dma_wait3A_120 : memref<8192xi32, #tpu.memory_space<hbm>>) dst(%dma_wait3A_119 : memref<8192xi32, #tpu.memory_space<vmem>>)
        %dma_wait3A_121 = arith.constant 0 : i32
        %dma_wait3A_122 = arith.constant 0 : i32
        %dma_wait3A_123 = tpu.memref_slice %arg10[%dma_wait3A_121, %dma_wait3A_122] : memref<2x8192xi32, #tpu.memory_space<vmem>> -> memref<1x8192xi32, #tpu.memory_space<vmem>>
        %dma_wait3A_124 = tpu.memref_squeeze %dma_wait3A_123 : memref<1x8192xi32, #tpu.memory_space<vmem>> -> memref<8192xi32, #tpu.memory_space<vmem>>
        %dma_wait3A_125 = tpu.memref_slice %arg4[%add3A_112] : memref<344064xi32, #tpu.memory_space<hbm>> -> memref<8192xi32, #tpu.memory_space<hbm>>
        %dma_wait3A_126 = arith.constant 0 : i32
        %dma_wait3A_127 = tpu.memref_slice %arg10[%dma_wait3A_121, %dma_wait3A_126] : memref<2x8192xi32, #tpu.memory_space<vmem>> -> memref<1x8192xi32, #tpu.memory_space<vmem>>
        %dma_wait3A_128 = tpu.memref_squeeze %dma_wait3A_127 : memref<1x8192xi32, #tpu.memory_space<vmem>> -> memref<8192xi32, #tpu.memory_space<vmem>>
        %dma_wait3A_129 = tpu.memref_slice %arg4[%add3A_112] : memref<344064xi32, #tpu.memory_space<hbm>> -> memref<8192xi32, #tpu.memory_space<hbm>>
        tpu.wait_dma2 semaphore(%arg12 : memref<!tpu.dma_semaphore, #tpu.memory_space<semaphore_mem>>) src(%dma_wait3A_129 : memref<8192xi32, #tpu.memory_space<hbm>>) dst(%dma_wait3A_128 : memref<8192xi32, #tpu.memory_space<vmem>>)
        %dma_wait3A_130 = arith.constant 0 : i32
        %dma_wait3A_131 = arith.constant 0 : i32
        %dma_wait3A_132 = tpu.memref_slice %arg11[%dma_wait3A_130, %dma_wait3A_131] : memref<2x8192xf32, #tpu.memory_space<vmem>> -> memref<1x8192xf32, #tpu.memory_space<vmem>>
        %dma_wait3A_133 = tpu.memref_squeeze %dma_wait3A_132 : memref<1x8192xf32, #tpu.memory_space<vmem>> -> memref<8192xf32, #tpu.memory_space<vmem>>
        %dma_wait3A_134 = tpu.memref_slice %arg5[%add3A_112] : memref<344064xf32, #tpu.memory_space<hbm>> -> memref<8192xf32, #tpu.memory_space<hbm>>
        %dma_wait3A_135 = arith.constant 0 : i32
        %dma_wait3A_136 = tpu.memref_slice %arg11[%dma_wait3A_130, %dma_wait3A_135] : memref<2x8192xf32, #tpu.memory_space<vmem>> -> memref<1x8192xf32, #tpu.memory_space<vmem>>
        %dma_wait3A_137 = tpu.memref_squeeze %dma_wait3A_136 : memref<1x8192xf32, #tpu.memory_space<vmem>> -> memref<8192xf32, #tpu.memory_space<vmem>>
        %dma_wait3A_138 = tpu.memref_slice %arg5[%add3A_112] : memref<344064xf32, #tpu.memory_space<hbm>> -> memref<8192xf32, #tpu.memory_space<hbm>>
        tpu.wait_dma2 semaphore(%arg12 : memref<!tpu.dma_semaphore, #tpu.memory_space<semaphore_mem>>) src(%dma_wait3A_138 : memref<8192xf32, #tpu.memory_space<hbm>>) dst(%dma_wait3A_137 : memref<8192xf32, #tpu.memory_space<vmem>>)
        %scan3A_139 = arith.constant 0 : i32
        %scan3A_140 = arith.constant 64 : i32
        %scan3A_141 = arith.addi %scan3A_139, %scan3A_140 : i32
        %scan3A_142 = arith.constant 1 : i32
        scf.for %scan3A_188 = %scan3A_139 to %scan3A_141 step %scan3A_142  : i32 {
          %mul3A_189 = arith.constant 1 : i32
          %mul3A_190 = arith.muli %scan3A_188, %mul3A_189 : i32
          %add3A_191 = arith.constant 0 : i32
          %add3A_192 = arith.addi %add3A_191, %mul3A_190 : i32
          %mul3A_193 = arith.constant 128 : i32
          %mul3A_194 = arith.muli %add3A_192, %mul3A_193 : i32
          %add3A_195 = arith.constant 0 : i32
          %add3A_196 = arith.addi %mul3A_194, %add3A_195 : i32
          %multiple_of3A = tpu.assume_multiple %add3A_196, 16 : i32
          %add3A_197 = arith.constant 16 : i32
          %add3A_198 = arith.addi %mul3A_194, %add3A_197 : i32
          %multiple_of3A_199 = tpu.assume_multiple %add3A_198, 16 : i32
          %add3A_200 = arith.constant 32 : i32
          %add3A_201 = arith.addi %mul3A_194, %add3A_200 : i32
          %multiple_of3A_202 = tpu.assume_multiple %add3A_201, 16 : i32
          %add3A_203 = arith.constant 48 : i32
          %add3A_204 = arith.addi %mul3A_194, %add3A_203 : i32
          %multiple_of3A_205 = tpu.assume_multiple %add3A_204, 16 : i32
          %add3A_206 = arith.constant 64 : i32
          %add3A_207 = arith.addi %mul3A_194, %add3A_206 : i32
          %multiple_of3A_208 = tpu.assume_multiple %add3A_207, 16 : i32
          %add3A_209 = arith.constant 80 : i32
          %add3A_210 = arith.addi %mul3A_194, %add3A_209 : i32
          %multiple_of3A_211 = tpu.assume_multiple %add3A_210, 16 : i32
          %add3A_212 = arith.constant 96 : i32
          %add3A_213 = arith.addi %mul3A_194, %add3A_212 : i32
          %multiple_of3A_214 = tpu.assume_multiple %add3A_213, 16 : i32
          %add3A_215 = arith.constant 112 : i32
          %add3A_216 = arith.addi %mul3A_194, %add3A_215 : i32
          %multiple_of3A_217 = tpu.assume_multiple %add3A_216, 16 : i32
          %get3A = arith.constant 0 : i32
          %get3A_218 = arith.index_cast %get3A : i32 to index
          %get3A_219 = arith.index_cast %multiple_of3A : i32 to index
          %get3A_220 = tpu.vector_load %arg9[%get3A_218, %get3A_219] {strides = array<i32>} : memref<2x8192xi32, #tpu.memory_space<vmem>>, vector<16xi32>,
          %get3A_221 = arith.constant 0 : i32
          %get3A_222 = arith.index_cast %get3A_221 : i32 to index
          %get3A_223 = arith.index_cast %multiple_of3A_199 : i32 to index
          %get3A_224 = tpu.vector_load %arg9[%get3A_222, %get3A_223] {strides = array<i32>} : memref<2x8192xi32, #tpu.memory_space<vmem>>, vector<16xi32>,
          %get3A_225 = arith.constant 0 : i32
          %get3A_226 = arith.index_cast %get3A_225 : i32 to index
          %get3A_227 = arith.index_cast %multiple_of3A_202 : i32 to index
          %get3A_228 = tpu.vector_load %arg9[%get3A_226, %get3A_227] {strides = array<i32>} : memref<2x8192xi32, #tpu.memory_space<vmem>>, vector<16xi32>,
          %get3A_229 = arith.constant 0 : i32
          %get3A_230 = arith.index_cast %get3A_229 : i32 to index
          %get3A_231 = arith.index_cast %multiple_of3A_205 : i32 to index
          %get3A_232 = tpu.vector_load %arg9[%get3A_230, %get3A_231] {strides = array<i32>} : memref<2x8192xi32, #tpu.memory_space<vmem>>, vector<16xi32>,
          %get3A_233 = arith.constant 0 : i32
          %get3A_234 = arith.index_cast %get3A_233 : i32 to index
          %get3A_235 = arith.index_cast %multiple_of3A_208 : i32 to index
          %get3A_236 = tpu.vector_load %arg9[%get3A_234, %get3A_235] {strides = array<i32>} : memref<2x8192xi32, #tpu.memory_space<vmem>>, vector<16xi32>,
          %get3A_237 = arith.constant 0 : i32
          %get3A_238 = arith.index_cast %get3A_237 : i32 to index
          %get3A_239 = arith.index_cast %multiple_of3A_211 : i32 to index
          %get3A_240 = tpu.vector_load %arg9[%get3A_238, %get3A_239] {strides = array<i32>} : memref<2x8192xi32, #tpu.memory_space<vmem>>, vector<16xi32>,
          %get3A_241 = arith.constant 0 : i32
          %get3A_242 = arith.index_cast %get3A_241 : i32 to index
          %get3A_243 = arith.index_cast %multiple_of3A_214 : i32 to index
          %get3A_244 = tpu.vector_load %arg9[%get3A_242, %get3A_243] {strides = array<i32>} : memref<2x8192xi32, #tpu.memory_space<vmem>>, vector<16xi32>,
          %get3A_245 = arith.constant 0 : i32
          %get3A_246 = arith.index_cast %get3A_245 : i32 to index
          %get3A_247 = arith.index_cast %multiple_of3A_217 : i32 to index
          %get3A_248 = tpu.vector_load %arg9[%get3A_246, %get3A_247] {strides = array<i32>} : memref<2x8192xi32, #tpu.memory_space<vmem>>, vector<16xi32>,
          %get3A_249 = arith.constant 0 : i32
          %get3A_250 = arith.index_cast %get3A_249 : i32 to index
          %get3A_251 = arith.index_cast %multiple_of3A : i32 to index
          %get3A_252 = tpu.vector_load %arg10[%get3A_250, %get3A_251] {strides = array<i32>} : memref<2x8192xi32, #tpu.memory_space<vmem>>, vector<16xi32>,
          %get3A_253 = arith.constant 0 : i32
          %get3A_254 = arith.index_cast %get3A_253 : i32 to index
          %get3A_255 = arith.index_cast %multiple_of3A_199 : i32 to index
          %get3A_256 = tpu.vector_load %arg10[%get3A_254, %get3A_255] {strides = array<i32>} : memref<2x8192xi32, #tpu.memory_space<vmem>>, vector<16xi32>,
          %get3A_257 = arith.constant 0 : i32
          %get3A_258 = arith.index_cast %get3A_257 : i32 to index
          %get3A_259 = arith.index_cast %multiple_of3A_202 : i32 to index
          %get3A_260 = tpu.vector_load %arg10[%get3A_258, %get3A_259] {strides = array<i32>} : memref<2x8192xi32, #tpu.memory_space<vmem>>, vector<16xi32>,
          %get3A_261 = arith.constant 0 : i32
          %get3A_262 = arith.index_cast %get3A_261 : i32 to index
          %get3A_263 = arith.index_cast %multiple_of3A_205 : i32 to index
          %get3A_264 = tpu.vector_load %arg10[%get3A_262, %get3A_263] {strides = array<i32>} : memref<2x8192xi32, #tpu.memory_space<vmem>>, vector<16xi32>,
          %get3A_265 = arith.constant 0 : i32
          %get3A_266 = arith.index_cast %get3A_265 : i32 to index
          %get3A_267 = arith.index_cast %multiple_of3A_208 : i32 to index
          %get3A_268 = tpu.vector_load %arg10[%get3A_266, %get3A_267] {strides = array<i32>} : memref<2x8192xi32, #tpu.memory_space<vmem>>, vector<16xi32>,
          %get3A_269 = arith.constant 0 : i32
          %get3A_270 = arith.index_cast %get3A_269 : i32 to index
          %get3A_271 = arith.index_cast %multiple_of3A_211 : i32 to index
          %get3A_272 = tpu.vector_load %arg10[%get3A_270, %get3A_271] {strides = array<i32>} : memref<2x8192xi32, #tpu.memory_space<vmem>>, vector<16xi32>,
          %get3A_273 = arith.constant 0 : i32
          %get3A_274 = arith.index_cast %get3A_273 : i32 to index
          %get3A_275 = arith.index_cast %multiple_of3A_214 : i32 to index
          %get3A_276 = tpu.vector_load %arg10[%get3A_274, %get3A_275] {strides = array<i32>} : memref<2x8192xi32, #tpu.memory_space<vmem>>, vector<16xi32>,
          %get3A_277 = arith.constant 0 : i32
          %get3A_278 = arith.index_cast %get3A_277 : i32 to index
          %get3A_279 = arith.index_cast %multiple_of3A_217 : i32 to index
          %get3A_280 = tpu.vector_load %arg10[%get3A_278, %get3A_279] {strides = array<i32>} : memref<2x8192xi32, #tpu.memory_space<vmem>>, vector<16xi32>,
          %get3A_281 = arith.constant 0 : i32
          %get3A_282 = arith.index_cast %get3A_281 : i32 to index
          %get3A_283 = arith.index_cast %multiple_of3A : i32 to index
          %get3A_284 = tpu.vector_load %arg11[%get3A_282, %get3A_283] {strides = array<i32>} : memref<2x8192xf32, #tpu.memory_space<vmem>>, vector<16xf32>,
          %get3A_285 = arith.constant 0 : i32
          %get3A_286 = arith.index_cast %get3A_285 : i32 to index
          %get3A_287 = arith.index_cast %multiple_of3A_199 : i32 to index
          %get3A_288 = tpu.vector_load %arg11[%get3A_286, %get3A_287] {strides = array<i32>} : memref<2x8192xf32, #tpu.memory_space<vmem>>, vector<16xf32>,
          %get3A_289 = arith.constant 0 : i32
          %get3A_290 = arith.index_cast %get3A_289 : i32 to index
          %get3A_291 = arith.index_cast %multiple_of3A_202 : i32 to index
          %get3A_292 = tpu.vector_load %arg11[%get3A_290, %get3A_291] {strides = array<i32>} : memref<2x8192xf32, #tpu.memory_space<vmem>>, vector<16xf32>,
          %get3A_293 = arith.constant 0 : i32
          %get3A_294 = arith.index_cast %get3A_293 : i32 to index
          %get3A_295 = arith.index_cast %multiple_of3A_205 : i32 to index
          %get3A_296 = tpu.vector_load %arg11[%get3A_294, %get3A_295] {strides = array<i32>} : memref<2x8192xf32, #tpu.memory_space<vmem>>, vector<16xf32>,
          %get3A_297 = arith.constant 0 : i32
          %get3A_298 = arith.index_cast %get3A_297 : i32 to index
          %get3A_299 = arith.index_cast %multiple_of3A_208 : i32 to index
          %get3A_300 = tpu.vector_load %arg11[%get3A_298, %get3A_299] {strides = array<i32>} : memref<2x8192xf32, #tpu.memory_space<vmem>>, vector<16xf32>,
          %get3A_301 = arith.constant 0 : i32
          %get3A_302 = arith.index_cast %get3A_301 : i32 to index
          %get3A_303 = arith.index_cast %multiple_of3A_211 : i32 to index
          %get3A_304 = tpu.vector_load %arg11[%get3A_302, %get3A_303] {strides = array<i32>} : memref<2x8192xf32, #tpu.memory_space<vmem>>, vector<16xf32>,
          %get3A_305 = arith.constant 0 : i32
          %get3A_306 = arith.index_cast %get3A_305 : i32 to index
          %get3A_307 = arith.index_cast %multiple_of3A_214 : i32 to index
          %get3A_308 = tpu.vector_load %arg11[%get3A_306, %get3A_307] {strides = array<i32>} : memref<2x8192xf32, #tpu.memory_space<vmem>>, vector<16xf32>,
          %get3A_309 = arith.constant 0 : i32
          %get3A_310 = arith.index_cast %get3A_309 : i32 to index
          %get3A_311 = arith.index_cast %multiple_of3A_217 : i32 to index
          %get3A_312 = tpu.vector_load %arg11[%get3A_310, %get3A_311] {strides = array<i32>} : memref<2x8192xf32, #tpu.memory_space<vmem>>, vector<16xf32>,
          %gather3A = tpu.vector_load_idx %arg7[%get3A_220] : memref<10112xf32, #tpu.memory_space<vmem>>[vector<16xi32>], vector<16xf32>,
          %gather3A_313 = tpu.vector_load_idx %arg7[%get3A_224] : memref<10112xf32, #tpu.memory_space<vmem>>[vector<16xi32>], vector<16xf32>,
          %gather3A_314 = tpu.vector_load_idx %arg7[%get3A_228] : memref<10112xf32, #tpu.memory_space<vmem>>[vector<16xi32>], vector<16xf32>,
          %gather3A_315 = tpu.vector_load_idx %arg7[%get3A_232] : memref<10112xf32, #tpu.memory_space<vmem>>[vector<16xi32>], vector<16xf32>,
          %gather3A_316 = tpu.vector_load_idx %arg7[%get3A_236] : memref<10112xf32, #tpu.memory_space<vmem>>[vector<16xi32>], vector<16xf32>,
          %gather3A_317 = tpu.vector_load_idx %arg7[%get3A_240] : memref<10112xf32, #tpu.memory_space<vmem>>[vector<16xi32>], vector<16xf32>,
          %gather3A_318 = tpu.vector_load_idx %arg7[%get3A_244] : memref<10112xf32, #tpu.memory_space<vmem>>[vector<16xi32>], vector<16xf32>,
          %gather3A_319 = tpu.vector_load_idx %arg7[%get3A_248] : memref<10112xf32, #tpu.memory_space<vmem>>[vector<16xi32>], vector<16xf32>,
          %mul3A_320 = arith.mulf %gather3A, %get3A_284 : vector<16xf32>
          %mul3A_321 = arith.mulf %gather3A_313, %get3A_288 : vector<16xf32>
          %mul3A_322 = arith.mulf %gather3A_314, %get3A_292 : vector<16xf32>
          %mul3A_323 = arith.mulf %gather3A_315, %get3A_296 : vector<16xf32>
          %mul3A_324 = arith.mulf %gather3A_316, %get3A_300 : vector<16xf32>
          %mul3A_325 = arith.mulf %gather3A_317, %get3A_304 : vector<16xf32>
          %mul3A_326 = arith.mulf %gather3A_318, %get3A_308 : vector<16xf32>
          %mul3A_327 = arith.mulf %gather3A_319, %get3A_312 : vector<16xf32>
          tpu.vector_store_idx %arg8[%get3A_252], %mul3A_320 {add = true} : memref<10112xf32, #tpu.memory_space<vmem>>[vector<16xi32>], vector<16xf32>,
          tpu.vector_store_idx %arg8[%get3A_256], %mul3A_321 {add = true} : memref<10112xf32, #tpu.memory_space<vmem>>[vector<16xi32>], vector<16xf32>,
          tpu.vector_store_idx %arg8[%get3A_260], %mul3A_322 {add = true} : memref<10112xf32, #tpu.memory_space<vmem>>[vector<16xi32>], vector<16xf32>,
          tpu.vector_store_idx %arg8[%get3A_264], %mul3A_323 {add = true} : memref<10112xf32, #tpu.memory_space<vmem>>[vector<16xi32>], vector<16xf32>,
          tpu.vector_store_idx %arg8[%get3A_268], %mul3A_324 {add = true} : memref<10112xf32, #tpu.memory_space<vmem>>[vector<16xi32>], vector<16xf32>,
          tpu.vector_store_idx %arg8[%get3A_272], %mul3A_325 {add = true} : memref<10112xf32, #tpu.memory_space<vmem>>[vector<16xi32>], vector<16xf32>,
          tpu.vector_store_idx %arg8[%get3A_276], %mul3A_326 {add = true} : memref<10112xf32, #tpu.memory_space<vmem>>[vector<16xi32>], vector<16xf32>,
          tpu.vector_store_idx %arg8[%get3A_280], %mul3A_327 {add = true} : memref<10112xf32, #tpu.memory_space<vmem>>[vector<16xi32>], vector<16xf32>,
        }
        %scan3A_143 = arith.constant 64 : i32
        %add3A_144 = arith.constant 2 : i32
        %add3A_145 = arith.addi %add3A_77, %add3A_144 : i32
        %lt3A_146 = arith.constant 14 : i32
        %lt3A_147 = arith.cmpi slt, %add3A_145, %lt3A_146 : i32
        %convert_element_type3A_148 = arith.extui %lt3A_147 : i1 to i32
        %cond3A_149 = arith.constant 0 : i32
        %cond3A_150 = arith.cmpi ne, %convert_element_type3A_148, %cond3A_149 : i32
        scf.if %cond3A_150 {
          %add3A_188 = arith.constant 2 : i32
          %add3A_189 = arith.addi %add3A_77, %add3A_188 : i32
          %mul3A_190 = arith.constant 8192 : i32
          %mul3A_191 = arith.muli %add3A_189, %mul3A_190 : i32
          %add3A_192 = arith.addi %mul3A_35, %mul3A_191 : i32
          %dma_start3A_193 = arith.constant 0 : i32
          %dma_start3A_194 = arith.constant 0 : i32
          %dma_start3A_195 = tpu.memref_slice %arg9[%dma_start3A_193, %dma_start3A_194] : memref<2x8192xi32, #tpu.memory_space<vmem>> -> memref<1x8192xi32, #tpu.memory_space<vmem>>
          %dma_start3A_196 = tpu.memref_squeeze %dma_start3A_195 : memref<1x8192xi32, #tpu.memory_space<vmem>> -> memref<8192xi32, #tpu.memory_space<vmem>>
          %dma_start3A_197 = tpu.memref_slice %arg3[%add3A_192] : memref<344064xi32, #tpu.memory_space<hbm>> -> memref<8192xi32, #tpu.memory_space<hbm>>
          %dma_start3A_198 = arith.constant 0 : i32
          %dma_start3A_199 = tpu.memref_slice %arg9[%dma_start3A_193, %dma_start3A_198] : memref<2x8192xi32, #tpu.memory_space<vmem>> -> memref<1x8192xi32, #tpu.memory_space<vmem>>
          %dma_start3A_200 = tpu.memref_squeeze %dma_start3A_199 : memref<1x8192xi32, #tpu.memory_space<vmem>> -> memref<8192xi32, #tpu.memory_space<vmem>>
          %dma_start3A_201 = tpu.memref_slice %arg3[%add3A_192] : memref<344064xi32, #tpu.memory_space<hbm>> -> memref<8192xi32, #tpu.memory_space<hbm>>
          tpu.enqueue_dma source(%dma_start3A_201 : memref<8192xi32, #tpu.memory_space<hbm>>) target(%dma_start3A_200 : memref<8192xi32, #tpu.memory_space<vmem>>) target_semaphore(%arg12 : memref<!tpu.dma_semaphore, #tpu.memory_space<semaphore_mem>>)
          %dma_start3A_202 = arith.constant 0 : i32
          %dma_start3A_203 = arith.constant 0 : i32
          %dma_start3A_204 = tpu.memref_slice %arg10[%dma_start3A_202, %dma_start3A_203] : memref<2x8192xi32, #tpu.memory_space<vmem>> -> memref<1x8192xi32, #tpu.memory_space<vmem>>
          %dma_start3A_205 = tpu.memref_squeeze %dma_start3A_204 : memref<1x8192xi32, #tpu.memory_space<vmem>> -> memref<8192xi32, #tpu.memory_space<vmem>>
          %dma_start3A_206 = tpu.memref_slice %arg4[%add3A_192] : memref<344064xi32, #tpu.memory_space<hbm>> -> memref<8192xi32, #tpu.memory_space<hbm>>
          %dma_start3A_207 = arith.constant 0 : i32
          %dma_start3A_208 = tpu.memref_slice %arg10[%dma_start3A_202, %dma_start3A_207] : memref<2x8192xi32, #tpu.memory_space<vmem>> -> memref<1x8192xi32, #tpu.memory_space<vmem>>
          %dma_start3A_209 = tpu.memref_squeeze %dma_start3A_208 : memref<1x8192xi32, #tpu.memory_space<vmem>> -> memref<8192xi32, #tpu.memory_space<vmem>>
          %dma_start3A_210 = tpu.memref_slice %arg4[%add3A_192] : memref<344064xi32, #tpu.memory_space<hbm>> -> memref<8192xi32, #tpu.memory_space<hbm>>
          tpu.enqueue_dma source(%dma_start3A_210 : memref<8192xi32, #tpu.memory_space<hbm>>) target(%dma_start3A_209 : memref<8192xi32, #tpu.memory_space<vmem>>) target_semaphore(%arg12 : memref<!tpu.dma_semaphore, #tpu.memory_space<semaphore_mem>>)
          %dma_start3A_211 = arith.constant 0 : i32
          %dma_start3A_212 = arith.constant 0 : i32
          %dma_start3A_213 = tpu.memref_slice %arg11[%dma_start3A_211, %dma_start3A_212] : memref<2x8192xf32, #tpu.memory_space<vmem>> -> memref<1x8192xf32, #tpu.memory_space<vmem>>
          %dma_start3A_214 = tpu.memref_squeeze %dma_start3A_213 : memref<1x8192xf32, #tpu.memory_space<vmem>> -> memref<8192xf32, #tpu.memory_space<vmem>>
          %dma_start3A_215 = tpu.memref_slice %arg5[%add3A_192] : memref<344064xf32, #tpu.memory_space<hbm>> -> memref<8192xf32, #tpu.memory_space<hbm>>
          %dma_start3A_216 = arith.constant 0 : i32
          %dma_start3A_217 = tpu.memref_slice %arg11[%dma_start3A_211, %dma_start3A_216] : memref<2x8192xf32, #tpu.memory_space<vmem>> -> memref<1x8192xf32, #tpu.memory_space<vmem>>
          %dma_start3A_218 = tpu.memref_squeeze %dma_start3A_217 : memref<1x8192xf32, #tpu.memory_space<vmem>> -> memref<8192xf32, #tpu.memory_space<vmem>>
          %dma_start3A_219 = tpu.memref_slice %arg5[%add3A_192] : memref<344064xf32, #tpu.memory_space<hbm>> -> memref<8192xf32, #tpu.memory_space<hbm>>
          tpu.enqueue_dma source(%dma_start3A_219 : memref<8192xf32, #tpu.memory_space<hbm>>) target(%dma_start3A_218 : memref<8192xf32, #tpu.memory_space<vmem>>) target_semaphore(%arg12 : memref<!tpu.dma_semaphore, #tpu.memory_space<semaphore_mem>>)
        } else {
        }
        %add3A_151 = arith.constant 1 : i32
        %add3A_152 = arith.addi %add3A_77, %add3A_151 : i32
        %mul3A_153 = arith.constant 8192 : i32
        %mul3A_154 = arith.muli %add3A_152, %mul3A_153 : i32
        %add3A_155 = arith.addi %mul3A_35, %mul3A_154 : i32
        %dma_wait3A_156 = arith.constant 1 : i32
        %dma_wait3A_157 = arith.constant 0 : i32
        %dma_wait3A_158 = tpu.memref_slice %arg9[%dma_wait3A_156, %dma_wait3A_157] : memref<2x8192xi32, #tpu.memory_space<vmem>> -> memref<1x8192xi32, #tpu.memory_space<vmem>>
        %dma_wait3A_159 = tpu.memref_squeeze %dma_wait3A_158 : memref<1x8192xi32, #tpu.memory_space<vmem>> -> memref<8192xi32, #tpu.memory_space<vmem>>
        %dma_wait3A_160 = tpu.memref_slice %arg3[%add3A_155] : memref<344064xi32, #tpu.memory_space<hbm>> -> memref<8192xi32, #tpu.memory_space<hbm>>
        %dma_wait3A_161 = arith.constant 0 : i32
        %dma_wait3A_162 = tpu.memref_slice %arg9[%dma_wait3A_156, %dma_wait3A_161] : memref<2x8192xi32, #tpu.memory_space<vmem>> -> memref<1x8192xi32, #tpu.memory_space<vmem>>
        %dma_wait3A_163 = tpu.memref_squeeze %dma_wait3A_162 : memref<1x8192xi32, #tpu.memory_space<vmem>> -> memref<8192xi32, #tpu.memory_space<vmem>>
        %dma_wait3A_164 = tpu.memref_slice %arg3[%add3A_155] : memref<344064xi32, #tpu.memory_space<hbm>> -> memref<8192xi32, #tpu.memory_space<hbm>>
        tpu.wait_dma2 semaphore(%arg13 : memref<!tpu.dma_semaphore, #tpu.memory_space<semaphore_mem>>) src(%dma_wait3A_164 : memref<8192xi32, #tpu.memory_space<hbm>>) dst(%dma_wait3A_163 : memref<8192xi32, #tpu.memory_space<vmem>>)
        %dma_wait3A_165 = arith.constant 1 : i32
        %dma_wait3A_166 = arith.constant 0 : i32
        %dma_wait3A_167 = tpu.memref_slice %arg10[%dma_wait3A_165, %dma_wait3A_166] : memref<2x8192xi32, #tpu.memory_space<vmem>> -> memref<1x8192xi32, #tpu.memory_space<vmem>>
        %dma_wait3A_168 = tpu.memref_squeeze %dma_wait3A_167 : memref<1x8192xi32, #tpu.memory_space<vmem>> -> memref<8192xi32, #tpu.memory_space<vmem>>
        %dma_wait3A_169 = tpu.memref_slice %arg4[%add3A_155] : memref<344064xi32, #tpu.memory_space<hbm>> -> memref<8192xi32, #tpu.memory_space<hbm>>
        %dma_wait3A_170 = arith.constant 0 : i32
        %dma_wait3A_171 = tpu.memref_slice %arg10[%dma_wait3A_165, %dma_wait3A_170] : memref<2x8192xi32, #tpu.memory_space<vmem>> -> memref<1x8192xi32, #tpu.memory_space<vmem>>
        %dma_wait3A_172 = tpu.memref_squeeze %dma_wait3A_171 : memref<1x8192xi32, #tpu.memory_space<vmem>> -> memref<8192xi32, #tpu.memory_space<vmem>>
        %dma_wait3A_173 = tpu.memref_slice %arg4[%add3A_155] : memref<344064xi32, #tpu.memory_space<hbm>> -> memref<8192xi32, #tpu.memory_space<hbm>>
        tpu.wait_dma2 semaphore(%arg13 : memref<!tpu.dma_semaphore, #tpu.memory_space<semaphore_mem>>) src(%dma_wait3A_173 : memref<8192xi32, #tpu.memory_space<hbm>>) dst(%dma_wait3A_172 : memref<8192xi32, #tpu.memory_space<vmem>>)
        %dma_wait3A_174 = arith.constant 1 : i32
        %dma_wait3A_175 = arith.constant 0 : i32
        %dma_wait3A_176 = tpu.memref_slice %arg11[%dma_wait3A_174, %dma_wait3A_175] : memref<2x8192xf32, #tpu.memory_space<vmem>> -> memref<1x8192xf32, #tpu.memory_space<vmem>>
        %dma_wait3A_177 = tpu.memref_squeeze %dma_wait3A_176 : memref<1x8192xf32, #tpu.memory_space<vmem>> -> memref<8192xf32, #tpu.memory_space<vmem>>
        %dma_wait3A_178 = tpu.memref_slice %arg5[%add3A_155] : memref<344064xf32, #tpu.memory_space<hbm>> -> memref<8192xf32, #tpu.memory_space<hbm>>
        %dma_wait3A_179 = arith.constant 0 : i32
        %dma_wait3A_180 = tpu.memref_slice %arg11[%dma_wait3A_174, %dma_wait3A_179] : memref<2x8192xf32, #tpu.memory_space<vmem>> -> memref<1x8192xf32, #tpu.memory_space<vmem>>
        %dma_wait3A_181 = tpu.memref_squeeze %dma_wait3A_180 : memref<1x8192xf32, #tpu.memory_space<vmem>> -> memref<8192xf32, #tpu.memory_space<vmem>>
        %dma_wait3A_182 = tpu.memref_slice %arg5[%add3A_155] : memref<344064xf32, #tpu.memory_space<hbm>> -> memref<8192xf32, #tpu.memory_space<hbm>>
        tpu.wait_dma2 semaphore(%arg13 : memref<!tpu.dma_semaphore, #tpu.memory_space<semaphore_mem>>) src(%dma_wait3A_182 : memref<8192xf32, #tpu.memory_space<hbm>>) dst(%dma_wait3A_181 : memref<8192xf32, #tpu.memory_space<vmem>>)
        %scan3A_183 = arith.constant 0 : i32
        %scan3A_184 = arith.constant 64 : i32
        %scan3A_185 = arith.addi %scan3A_183, %scan3A_184 : i32
        %scan3A_186 = arith.constant 1 : i32
        scf.for %scan3A_188 = %scan3A_183 to %scan3A_185 step %scan3A_186  : i32 {
          %mul3A_189 = arith.constant 1 : i32
          %mul3A_190 = arith.muli %scan3A_188, %mul3A_189 : i32
          %add3A_191 = arith.constant 0 : i32
          %add3A_192 = arith.addi %add3A_191, %mul3A_190 : i32
          %mul3A_193 = arith.constant 128 : i32
          %mul3A_194 = arith.muli %add3A_192, %mul3A_193 : i32
          %add3A_195 = arith.constant 0 : i32
          %add3A_196 = arith.addi %mul3A_194, %add3A_195 : i32
          %multiple_of3A = tpu.assume_multiple %add3A_196, 16 : i32
          %add3A_197 = arith.constant 16 : i32
          %add3A_198 = arith.addi %mul3A_194, %add3A_197 : i32
          %multiple_of3A_199 = tpu.assume_multiple %add3A_198, 16 : i32
          %add3A_200 = arith.constant 32 : i32
          %add3A_201 = arith.addi %mul3A_194, %add3A_200 : i32
          %multiple_of3A_202 = tpu.assume_multiple %add3A_201, 16 : i32
          %add3A_203 = arith.constant 48 : i32
          %add3A_204 = arith.addi %mul3A_194, %add3A_203 : i32
          %multiple_of3A_205 = tpu.assume_multiple %add3A_204, 16 : i32
          %add3A_206 = arith.constant 64 : i32
          %add3A_207 = arith.addi %mul3A_194, %add3A_206 : i32
          %multiple_of3A_208 = tpu.assume_multiple %add3A_207, 16 : i32
          %add3A_209 = arith.constant 80 : i32
          %add3A_210 = arith.addi %mul3A_194, %add3A_209 : i32
          %multiple_of3A_211 = tpu.assume_multiple %add3A_210, 16 : i32
          %add3A_212 = arith.constant 96 : i32
          %add3A_213 = arith.addi %mul3A_194, %add3A_212 : i32
          %multiple_of3A_214 = tpu.assume_multiple %add3A_213, 16 : i32
          %add3A_215 = arith.constant 112 : i32
          %add3A_216 = arith.addi %mul3A_194, %add3A_215 : i32
          %multiple_of3A_217 = tpu.assume_multiple %add3A_216, 16 : i32
          %get3A = arith.constant 1 : i32
          %get3A_218 = arith.index_cast %get3A : i32 to index
          %get3A_219 = arith.index_cast %multiple_of3A : i32 to index
          %get3A_220 = tpu.vector_load %arg9[%get3A_218, %get3A_219] {strides = array<i32>} : memref<2x8192xi32, #tpu.memory_space<vmem>>, vector<16xi32>,
          %get3A_221 = arith.constant 1 : i32
          %get3A_222 = arith.index_cast %get3A_221 : i32 to index
          %get3A_223 = arith.index_cast %multiple_of3A_199 : i32 to index
          %get3A_224 = tpu.vector_load %arg9[%get3A_222, %get3A_223] {strides = array<i32>} : memref<2x8192xi32, #tpu.memory_space<vmem>>, vector<16xi32>,
          %get3A_225 = arith.constant 1 : i32
          %get3A_226 = arith.index_cast %get3A_225 : i32 to index
          %get3A_227 = arith.index_cast %multiple_of3A_202 : i32 to index
          %get3A_228 = tpu.vector_load %arg9[%get3A_226, %get3A_227] {strides = array<i32>} : memref<2x8192xi32, #tpu.memory_space<vmem>>, vector<16xi32>,
          %get3A_229 = arith.constant 1 : i32
          %get3A_230 = arith.index_cast %get3A_229 : i32 to index
          %get3A_231 = arith.index_cast %multiple_of3A_205 : i32 to index
          %get3A_232 = tpu.vector_load %arg9[%get3A_230, %get3A_231] {strides = array<i32>} : memref<2x8192xi32, #tpu.memory_space<vmem>>, vector<16xi32>,
          %get3A_233 = arith.constant 1 : i32
          %get3A_234 = arith.index_cast %get3A_233 : i32 to index
          %get3A_235 = arith.index_cast %multiple_of3A_208 : i32 to index
          %get3A_236 = tpu.vector_load %arg9[%get3A_234, %get3A_235] {strides = array<i32>} : memref<2x8192xi32, #tpu.memory_space<vmem>>, vector<16xi32>,
          %get3A_237 = arith.constant 1 : i32
          %get3A_238 = arith.index_cast %get3A_237 : i32 to index
          %get3A_239 = arith.index_cast %multiple_of3A_211 : i32 to index
          %get3A_240 = tpu.vector_load %arg9[%get3A_238, %get3A_239] {strides = array<i32>} : memref<2x8192xi32, #tpu.memory_space<vmem>>, vector<16xi32>,
          %get3A_241 = arith.constant 1 : i32
          %get3A_242 = arith.index_cast %get3A_241 : i32 to index
          %get3A_243 = arith.index_cast %multiple_of3A_214 : i32 to index
          %get3A_244 = tpu.vector_load %arg9[%get3A_242, %get3A_243] {strides = array<i32>} : memref<2x8192xi32, #tpu.memory_space<vmem>>, vector<16xi32>,
          %get3A_245 = arith.constant 1 : i32
          %get3A_246 = arith.index_cast %get3A_245 : i32 to index
          %get3A_247 = arith.index_cast %multiple_of3A_217 : i32 to index
          %get3A_248 = tpu.vector_load %arg9[%get3A_246, %get3A_247] {strides = array<i32>} : memref<2x8192xi32, #tpu.memory_space<vmem>>, vector<16xi32>,
          %get3A_249 = arith.constant 1 : i32
          %get3A_250 = arith.index_cast %get3A_249 : i32 to index
          %get3A_251 = arith.index_cast %multiple_of3A : i32 to index
          %get3A_252 = tpu.vector_load %arg10[%get3A_250, %get3A_251] {strides = array<i32>} : memref<2x8192xi32, #tpu.memory_space<vmem>>, vector<16xi32>,
          %get3A_253 = arith.constant 1 : i32
          %get3A_254 = arith.index_cast %get3A_253 : i32 to index
          %get3A_255 = arith.index_cast %multiple_of3A_199 : i32 to index
          %get3A_256 = tpu.vector_load %arg10[%get3A_254, %get3A_255] {strides = array<i32>} : memref<2x8192xi32, #tpu.memory_space<vmem>>, vector<16xi32>,
          %get3A_257 = arith.constant 1 : i32
          %get3A_258 = arith.index_cast %get3A_257 : i32 to index
          %get3A_259 = arith.index_cast %multiple_of3A_202 : i32 to index
          %get3A_260 = tpu.vector_load %arg10[%get3A_258, %get3A_259] {strides = array<i32>} : memref<2x8192xi32, #tpu.memory_space<vmem>>, vector<16xi32>,
          %get3A_261 = arith.constant 1 : i32
          %get3A_262 = arith.index_cast %get3A_261 : i32 to index
          %get3A_263 = arith.index_cast %multiple_of3A_205 : i32 to index
          %get3A_264 = tpu.vector_load %arg10[%get3A_262, %get3A_263] {strides = array<i32>} : memref<2x8192xi32, #tpu.memory_space<vmem>>, vector<16xi32>,
          %get3A_265 = arith.constant 1 : i32
          %get3A_266 = arith.index_cast %get3A_265 : i32 to index
          %get3A_267 = arith.index_cast %multiple_of3A_208 : i32 to index
          %get3A_268 = tpu.vector_load %arg10[%get3A_266, %get3A_267] {strides = array<i32>} : memref<2x8192xi32, #tpu.memory_space<vmem>>, vector<16xi32>,
          %get3A_269 = arith.constant 1 : i32
          %get3A_270 = arith.index_cast %get3A_269 : i32 to index
          %get3A_271 = arith.index_cast %multiple_of3A_211 : i32 to index
          %get3A_272 = tpu.vector_load %arg10[%get3A_270, %get3A_271] {strides = array<i32>} : memref<2x8192xi32, #tpu.memory_space<vmem>>, vector<16xi32>,
          %get3A_273 = arith.constant 1 : i32
          %get3A_274 = arith.index_cast %get3A_273 : i32 to index
          %get3A_275 = arith.index_cast %multiple_of3A_214 : i32 to index
          %get3A_276 = tpu.vector_load %arg10[%get3A_274, %get3A_275] {strides = array<i32>} : memref<2x8192xi32, #tpu.memory_space<vmem>>, vector<16xi32>,
          %get3A_277 = arith.constant 1 : i32
          %get3A_278 = arith.index_cast %get3A_277 : i32 to index
          %get3A_279 = arith.index_cast %multiple_of3A_217 : i32 to index
          %get3A_280 = tpu.vector_load %arg10[%get3A_278, %get3A_279] {strides = array<i32>} : memref<2x8192xi32, #tpu.memory_space<vmem>>, vector<16xi32>,
          %get3A_281 = arith.constant 1 : i32
          %get3A_282 = arith.index_cast %get3A_281 : i32 to index
          %get3A_283 = arith.index_cast %multiple_of3A : i32 to index
          %get3A_284 = tpu.vector_load %arg11[%get3A_282, %get3A_283] {strides = array<i32>} : memref<2x8192xf32, #tpu.memory_space<vmem>>, vector<16xf32>,
          %get3A_285 = arith.constant 1 : i32
          %get3A_286 = arith.index_cast %get3A_285 : i32 to index
          %get3A_287 = arith.index_cast %multiple_of3A_199 : i32 to index
          %get3A_288 = tpu.vector_load %arg11[%get3A_286, %get3A_287] {strides = array<i32>} : memref<2x8192xf32, #tpu.memory_space<vmem>>, vector<16xf32>,
          %get3A_289 = arith.constant 1 : i32
          %get3A_290 = arith.index_cast %get3A_289 : i32 to index
          %get3A_291 = arith.index_cast %multiple_of3A_202 : i32 to index
          %get3A_292 = tpu.vector_load %arg11[%get3A_290, %get3A_291] {strides = array<i32>} : memref<2x8192xf32, #tpu.memory_space<vmem>>, vector<16xf32>,
          %get3A_293 = arith.constant 1 : i32
          %get3A_294 = arith.index_cast %get3A_293 : i32 to index
          %get3A_295 = arith.index_cast %multiple_of3A_205 : i32 to index
          %get3A_296 = tpu.vector_load %arg11[%get3A_294, %get3A_295] {strides = array<i32>} : memref<2x8192xf32, #tpu.memory_space<vmem>>, vector<16xf32>,
          %get3A_297 = arith.constant 1 : i32
          %get3A_298 = arith.index_cast %get3A_297 : i32 to index
          %get3A_299 = arith.index_cast %multiple_of3A_208 : i32 to index
          %get3A_300 = tpu.vector_load %arg11[%get3A_298, %get3A_299] {strides = array<i32>} : memref<2x8192xf32, #tpu.memory_space<vmem>>, vector<16xf32>,
          %get3A_301 = arith.constant 1 : i32
          %get3A_302 = arith.index_cast %get3A_301 : i32 to index
          %get3A_303 = arith.index_cast %multiple_of3A_211 : i32 to index
          %get3A_304 = tpu.vector_load %arg11[%get3A_302, %get3A_303] {strides = array<i32>} : memref<2x8192xf32, #tpu.memory_space<vmem>>, vector<16xf32>,
          %get3A_305 = arith.constant 1 : i32
          %get3A_306 = arith.index_cast %get3A_305 : i32 to index
          %get3A_307 = arith.index_cast %multiple_of3A_214 : i32 to index
          %get3A_308 = tpu.vector_load %arg11[%get3A_306, %get3A_307] {strides = array<i32>} : memref<2x8192xf32, #tpu.memory_space<vmem>>, vector<16xf32>,
          %get3A_309 = arith.constant 1 : i32
          %get3A_310 = arith.index_cast %get3A_309 : i32 to index
          %get3A_311 = arith.index_cast %multiple_of3A_217 : i32 to index
          %get3A_312 = tpu.vector_load %arg11[%get3A_310, %get3A_311] {strides = array<i32>} : memref<2x8192xf32, #tpu.memory_space<vmem>>, vector<16xf32>,
          %gather3A = tpu.vector_load_idx %arg7[%get3A_220] : memref<10112xf32, #tpu.memory_space<vmem>>[vector<16xi32>], vector<16xf32>,
          %gather3A_313 = tpu.vector_load_idx %arg7[%get3A_224] : memref<10112xf32, #tpu.memory_space<vmem>>[vector<16xi32>], vector<16xf32>,
          %gather3A_314 = tpu.vector_load_idx %arg7[%get3A_228] : memref<10112xf32, #tpu.memory_space<vmem>>[vector<16xi32>], vector<16xf32>,
          %gather3A_315 = tpu.vector_load_idx %arg7[%get3A_232] : memref<10112xf32, #tpu.memory_space<vmem>>[vector<16xi32>], vector<16xf32>,
          %gather3A_316 = tpu.vector_load_idx %arg7[%get3A_236] : memref<10112xf32, #tpu.memory_space<vmem>>[vector<16xi32>], vector<16xf32>,
          %gather3A_317 = tpu.vector_load_idx %arg7[%get3A_240] : memref<10112xf32, #tpu.memory_space<vmem>>[vector<16xi32>], vector<16xf32>,
          %gather3A_318 = tpu.vector_load_idx %arg7[%get3A_244] : memref<10112xf32, #tpu.memory_space<vmem>>[vector<16xi32>], vector<16xf32>,
          %gather3A_319 = tpu.vector_load_idx %arg7[%get3A_248] : memref<10112xf32, #tpu.memory_space<vmem>>[vector<16xi32>], vector<16xf32>,
          %mul3A_320 = arith.mulf %gather3A, %get3A_284 : vector<16xf32>
          %mul3A_321 = arith.mulf %gather3A_313, %get3A_288 : vector<16xf32>
          %mul3A_322 = arith.mulf %gather3A_314, %get3A_292 : vector<16xf32>
          %mul3A_323 = arith.mulf %gather3A_315, %get3A_296 : vector<16xf32>
          %mul3A_324 = arith.mulf %gather3A_316, %get3A_300 : vector<16xf32>
          %mul3A_325 = arith.mulf %gather3A_317, %get3A_304 : vector<16xf32>
          %mul3A_326 = arith.mulf %gather3A_318, %get3A_308 : vector<16xf32>
          %mul3A_327 = arith.mulf %gather3A_319, %get3A_312 : vector<16xf32>
          tpu.vector_store_idx %arg8[%get3A_252], %mul3A_320 {add = true} : memref<10112xf32, #tpu.memory_space<vmem>>[vector<16xi32>], vector<16xf32>,
          tpu.vector_store_idx %arg8[%get3A_256], %mul3A_321 {add = true} : memref<10112xf32, #tpu.memory_space<vmem>>[vector<16xi32>], vector<16xf32>,
          tpu.vector_store_idx %arg8[%get3A_260], %mul3A_322 {add = true} : memref<10112xf32, #tpu.memory_space<vmem>>[vector<16xi32>], vector<16xf32>,
          tpu.vector_store_idx %arg8[%get3A_264], %mul3A_323 {add = true} : memref<10112xf32, #tpu.memory_space<vmem>>[vector<16xi32>], vector<16xf32>,
          tpu.vector_store_idx %arg8[%get3A_268], %mul3A_324 {add = true} : memref<10112xf32, #tpu.memory_space<vmem>>[vector<16xi32>], vector<16xf32>,
          tpu.vector_store_idx %arg8[%get3A_272], %mul3A_325 {add = true} : memref<10112xf32, #tpu.memory_space<vmem>>[vector<16xi32>], vector<16xf32>,
          tpu.vector_store_idx %arg8[%get3A_276], %mul3A_326 {add = true} : memref<10112xf32, #tpu.memory_space<vmem>>[vector<16xi32>], vector<16xf32>,
          tpu.vector_store_idx %arg8[%get3A_280], %mul3A_327 {add = true} : memref<10112xf32, #tpu.memory_space<vmem>>[vector<16xi32>], vector<16xf32>,
        }
        %scan3A_187 = arith.constant 64 : i32
      }
      %scan3A_72 = arith.constant 7 : i32
      "tpu.region"() ({
        %run_scoped3A = tpu.sem_alloc : memref<!tpu.dma_semaphore, #tpu.memory_space<semaphore_mem>>
        %dma_start3A_73 = arith.constant 0 : i32
        %dma_start3A_74 = tpu.memref_slice %arg6[%select_n3A_33, %select_n3A_12, %dma_start3A_73] : memref<3x16x10112xf32, #tpu.memory_space<hbm>> -> memref<1x1x10112xf32, #tpu.memory_space<hbm>>
        %dma_start3A_75 = tpu.memref_squeeze %dma_start3A_74 : memref<1x1x10112xf32, #tpu.memory_space<hbm>> -> memref<10112xf32, #tpu.memory_space<hbm>>
        %dma_start3A_76 = arith.constant 0 : i32
        %dma_start3A_77 = tpu.memref_slice %arg6[%select_n3A_33, %select_n3A_12, %dma_start3A_76] : memref<3x16x10112xf32, #tpu.memory_space<hbm>> -> memref<1x1x10112xf32, #tpu.memory_space<hbm>>
        %dma_start3A_78 = tpu.memref_squeeze %dma_start3A_77 : memref<1x1x10112xf32, #tpu.memory_space<hbm>> -> memref<10112xf32, #tpu.memory_space<hbm>>
        tpu.enqueue_dma source(%arg8 : memref<10112xf32, #tpu.memory_space<vmem>>) target(%dma_start3A_78 : memref<10112xf32, #tpu.memory_space<hbm>>) target_semaphore(%run_scoped3A : memref<!tpu.dma_semaphore, #tpu.memory_space<semaphore_mem>>)
        %dma_wait3A = arith.constant 0 : i32
        %dma_wait3A_79 = tpu.memref_slice %arg6[%select_n3A_33, %select_n3A_12, %dma_wait3A] : memref<3x16x10112xf32, #tpu.memory_space<hbm>> -> memref<1x1x10112xf32, #tpu.memory_space<hbm>>
        %dma_wait3A_80 = tpu.memref_squeeze %dma_wait3A_79 : memref<1x1x10112xf32, #tpu.memory_space<hbm>> -> memref<10112xf32, #tpu.memory_space<hbm>>
        %dma_wait3A_81 = arith.constant 0 : i32
        %dma_wait3A_82 = tpu.memref_slice %arg6[%select_n3A_33, %select_n3A_12, %dma_wait3A_81] : memref<3x16x10112xf32, #tpu.memory_space<hbm>> -> memref<1x1x10112xf32, #tpu.memory_space<hbm>>
        %dma_wait3A_83 = tpu.memref_squeeze %dma_wait3A_82 : memref<1x1x10112xf32, #tpu.memory_space<hbm>> -> memref<10112xf32, #tpu.memory_space<hbm>>
        tpu.wait_dma2 semaphore(%run_scoped3A : memref<!tpu.dma_semaphore, #tpu.memory_space<semaphore_mem>>) src(%arg8 : memref<10112xf32, #tpu.memory_space<vmem>>) dst(%dma_wait3A_83 : memref<10112xf32, #tpu.memory_space<hbm>>)
        tpu.yield
      }) : () -> ()
    } else {
    }
    return
  }
}

module attributes {stable_mosaic.version = 14 : i64} {
  func.func @body(%arg0: i32, %arg1: memref<10112x128xf32, #tpu.memory_space<vmem>>, %arg2: memref<128x16xf32, #tpu.memory_space<vmem>>, %arg3: memref<128x16xf32, #tpu.memory_space<vmem>>, %arg4: memref<1x16xf32, #tpu.memory_space<vmem>>, %arg5: memref<10112x16xf32, #tpu.memory_space<vmem>>, %arg6: memref<10112x16xf32, #tpu.memory_space<vmem>>) attributes {dimension_semantics = [#tpu.dimension_semantics<arbitrary>], iteration_bounds = array<i64: 1>, scalar_prefetch = 0 : i64, scratch_operands = 0 : i64, tpu.core_type = #tpu.core_type<tc>, window_params = [{transform_indices = @transform_0, window_bounds = array<i64: 10112, 128>}, {pipeline_mode = #tpu.pipeline_mode<synchronous>, transform_indices = @transform_1, window_bounds = array<i64: 128, 16>}, {pipeline_mode = #tpu.pipeline_mode<synchronous>, transform_indices = @transform_2, window_bounds = array<i64: 128, 16>}, {pipeline_mode = #tpu.pipeline_mode<synchronous>, transform_indices = @transform_3, window_bounds = array<i64: 1, 16>}, {transform_indices = @transform_4, window_bounds = array<i64: 10112, 16>}, {transform_indices = @transform_5, window_bounds = array<i64: 10112, 16>}]} {
    %get3A = arith.constant 0 : index
    %get3A_0 = arith.constant 0 : index
    %get3A_1 = vector.load %arg1[%get3A, %get3A_0] : memref<10112x128xf32, #tpu.memory_space<vmem>>, vector<10112x128xf32>
    %get3A_2 = arith.constant 0 : index
    %get3A_3 = arith.constant 0 : index
    %get3A_4 = vector.load %arg2[%get3A_2, %get3A_3] : memref<128x16xf32, #tpu.memory_space<vmem>>, vector<128x16xf32>
    %dot_general3A = arith.constant dense<0.000000e+00> : vector<10112x16xf32>
    %dot_general3A_5 = tpu.matmul %get3A_1, %get3A_4, %dot_general3A {dimension_numbers = #tpu.dot_dimension_numbers<[1], [0], [0], [1], [0, 0, 1, 1], [], []>, transpose_lhs_hint = false} : vector<10112x128xf32>, vector<128x16xf32>, vector<10112x16xf32> -> vector<10112x16xf32>
    %swap3A = arith.constant 0 : index
    %swap3A_6 = arith.constant 0 : index
    %swap3A_7 = vector.load %arg5[%swap3A, %swap3A_6] : memref<10112x16xf32, #tpu.memory_space<vmem>>, vector<10112x16xf32>
    tpu.vector_store %arg5[%swap3A, %swap3A_6], %dot_general3A_5 {strides = array<i32>} : memref<10112x16xf32, #tpu.memory_space<vmem>>, vector<10112x16xf32>,
    %get3A_8 = arith.constant 0 : index
    %get3A_9 = arith.constant 0 : index
    %get3A_10 = vector.load %arg3[%get3A_8, %get3A_9] : memref<128x16xf32, #tpu.memory_space<vmem>>, vector<128x16xf32>
    %dot_general3A_11 = arith.constant dense<0.000000e+00> : vector<10112x16xf32>
    %dot_general3A_12 = tpu.matmul %get3A_1, %get3A_10, %dot_general3A_11 {dimension_numbers = #tpu.dot_dimension_numbers<[1], [0], [0], [1], [0, 0, 1, 1], [], []>, transpose_lhs_hint = false} : vector<10112x128xf32>, vector<128x16xf32>, vector<10112x16xf32> -> vector<10112x16xf32>
    %get3A_13 = arith.constant 0 : index
    %get3A_14 = arith.constant 0 : index
    %get3A_15 = vector.load %arg4[%get3A_13, %get3A_14] : memref<1x16xf32, #tpu.memory_space<vmem>>, vector<1x16xf32>
    %add3A = vector.broadcast %get3A_15 : vector<1x16xf32> to vector<10112x16xf32>
    %add3A_16 = arith.addf %dot_general3A_12, %add3A : vector<10112x16xf32>
    %swap3A_17 = arith.constant 0 : index
    %swap3A_18 = arith.constant 0 : index
    %swap3A_19 = vector.load %arg6[%swap3A_17, %swap3A_18] : memref<10112x16xf32, #tpu.memory_space<vmem>>, vector<10112x16xf32>
    tpu.vector_store %arg6[%swap3A_17, %swap3A_18], %add3A_16 {strides = array<i32>} : memref<10112x16xf32, #tpu.memory_space<vmem>>, vector<10112x16xf32>,
    return
  }
  func.func @transform_0(%arg0: i32) -> (i32, i32) {
    %c0_i32 = arith.constant 0 : i32
    %c0_i32_0 = arith.constant 0 : i32
    return %arg0, %c0_i32 : i32, i32
  }
  func.func @transform_1(%arg0: i32) -> (i32, i32) {
    %c0_i32 = arith.constant 0 : i32
    %c0_i32_0 = arith.constant 0 : i32
    %c0_i32_1 = arith.constant 0 : i32
    return %c0_i32, %c0_i32_0 : i32, i32
  }
  func.func @transform_2(%arg0: i32) -> (i32, i32) {
    %c0_i32 = arith.constant 0 : i32
    %c0_i32_0 = arith.constant 0 : i32
    %c0_i32_1 = arith.constant 0 : i32
    return %c0_i32, %c0_i32_0 : i32, i32
  }
  func.func @transform_3(%arg0: i32) -> (i32, i32) {
    %c0_i32 = arith.constant 0 : i32
    %c0_i32_0 = arith.constant 0 : i32
    %c0_i32_1 = arith.constant 0 : i32
    return %c0_i32, %c0_i32_0 : i32, i32
  }
  func.func @transform_4(%arg0: i32) -> (i32, i32) {
    %c0_i32 = arith.constant 0 : i32
    %c0_i32_0 = arith.constant 0 : i32
    return %arg0, %c0_i32 : i32, i32
  }
  func.func @transform_5(%arg0: i32) -> (i32, i32) {
    %c0_i32 = arith.constant 0 : i32
    %c0_i32_0 = arith.constant 0 : i32
    return %arg0, %c0_i32 : i32, i32
  }
}

module attributes {stable_mosaic.version = 14 : i64} {
  func.func @body(%arg0: i32, %arg1: memref<3x16x10112xf32, #tpu.memory_space<vmem>>, %arg2: memref<16x10112xf32, #tpu.memory_space<vmem>>, %arg3: memref<16x16xf32, #tpu.memory_space<vmem>>, %arg4: memref<16x16xf32, #tpu.memory_space<vmem>>, %arg5: memref<16x1xf32, #tpu.memory_space<vmem>>, %arg6: memref<16x10112xf32, #tpu.memory_space<vmem>>, %arg7: memref<16x10112xf32, #tpu.memory_space<vmem>>) attributes {dimension_semantics = [#tpu.dimension_semantics<arbitrary>], iteration_bounds = array<i64: 1>, scalar_prefetch = 0 : i64, scratch_operands = 0 : i64, tpu.core_type = #tpu.core_type<tc>, window_params = [{transform_indices = @transform_0, window_bounds = array<i64: 3, 16, 10112>}, {transform_indices = @transform_1, window_bounds = array<i64: 16, 10112>}, {pipeline_mode = #tpu.pipeline_mode<synchronous>, transform_indices = @transform_2, window_bounds = array<i64: 16, 16>}, {pipeline_mode = #tpu.pipeline_mode<synchronous>, transform_indices = @transform_3, window_bounds = array<i64: 16, 16>}, {pipeline_mode = #tpu.pipeline_mode<synchronous>, transform_indices = @transform_4, window_bounds = array<i64: 16, 1>}, {transform_indices = @transform_5, window_bounds = array<i64: 16, 10112>}, {transform_indices = @transform_6, window_bounds = array<i64: 16, 10112>}]} {
    %get3A = arith.constant 0 : index
    %get3A_0 = arith.constant 0 : index
    %get3A_1 = arith.constant 0 : index
    %get3A_2 = vector.load %arg1[%get3A, %get3A_0, %get3A_1] : memref<3x16x10112xf32, #tpu.memory_space<vmem>>, vector<1x16x10112xf32>
    %get3A_3 = vector.shape_cast %get3A_2 : vector<1x16x10112xf32> to vector<16x10112xf32>
    %get3A_4 = arith.constant 1 : index
    %get3A_5 = arith.constant 0 : index
    %get3A_6 = arith.constant 0 : index
    %get3A_7 = vector.load %arg1[%get3A_4, %get3A_5, %get3A_6] : memref<3x16x10112xf32, #tpu.memory_space<vmem>>, vector<1x16x10112xf32>
    %get3A_8 = vector.shape_cast %get3A_7 : vector<1x16x10112xf32> to vector<16x10112xf32>
    %add3A = arith.addf %get3A_3, %get3A_8 : vector<16x10112xf32>
    %get3A_9 = arith.constant 2 : index
    %get3A_10 = arith.constant 0 : index
    %get3A_11 = arith.constant 0 : index
    %get3A_12 = vector.load %arg1[%get3A_9, %get3A_10, %get3A_11] : memref<3x16x10112xf32, #tpu.memory_space<vmem>>, vector<1x16x10112xf32>
    %get3A_13 = vector.shape_cast %get3A_12 : vector<1x16x10112xf32> to vector<16x10112xf32>
    %add3A_14 = arith.addf %add3A, %get3A_13 : vector<16x10112xf32>
    %get3A_15 = arith.constant 0 : index
    %get3A_16 = arith.constant 0 : index
    %get3A_17 = vector.load %arg2[%get3A_15, %get3A_16] : memref<16x10112xf32, #tpu.memory_space<vmem>>, vector<16x10112xf32>
    %add3A_18 = arith.addf %add3A_14, %get3A_17 : vector<16x10112xf32>
    %max3A = arith.constant 0.000000e+00 : f32
    %max3A_19 = vector.broadcast %max3A : f32 to vector<16x10112xf32>
    %max3A_20 = arith.maximumf %add3A_18, %max3A_19 : vector<16x10112xf32>
    %iota3A = tpu.iota {dimensions = array<i32: 0>} : vector<16x10112xi32>
    %lt3A = arith.constant 10 : i32
    %lt3A_21 = vector.broadcast %lt3A : i32 to vector<16x10112xi32>
    %lt3A_22 = arith.cmpi slt, %iota3A, %lt3A_21 : vector<16x10112xi32>
    %jit3A = arith.constant 0.000000e+00 : f32
    %broadcast_in_dim3A = vector.broadcast %jit3A : f32 to vector<16x10112xf32>
    %select_n3A = arith.select %lt3A_22, %max3A_20, %broadcast_in_dim3A : vector<16x10112xi1>, vector<16x10112xf32>
    %swap3A = arith.constant 0 : index
    %swap3A_23 = arith.constant 0 : index
    %swap3A_24 = vector.load %arg6[%swap3A, %swap3A_23] : memref<16x10112xf32, #tpu.memory_space<vmem>>, vector<16x10112xf32>
    tpu.vector_store %arg6[%swap3A, %swap3A_23], %select_n3A {strides = array<i32>} : memref<16x10112xf32, #tpu.memory_space<vmem>>, vector<16x10112xf32>,
    %get3A_25 = arith.constant 0 : index
    %get3A_26 = arith.constant 0 : index
    %get3A_27 = vector.load %arg4[%get3A_25, %get3A_26] : memref<16x16xf32, #tpu.memory_space<vmem>>, vector<16x16xf32>
    %dot_general3A = arith.constant dense<0.000000e+00> : vector<16x10112xf32>
    %dot_general3A_28 = tpu.matmul %get3A_27, %select_n3A, %dot_general3A {dimension_numbers = #tpu.dot_dimension_numbers<[1], [0], [0], [1], [0, 0, 1, 1], [], []>, transpose_lhs_hint = false} : vector<16x16xf32>, vector<16x10112xf32>, vector<16x10112xf32> -> vector<16x10112xf32>
    %get3A_29 = arith.constant 0 : index
    %get3A_30 = arith.constant 0 : index
    %get3A_31 = vector.load %arg5[%get3A_29, %get3A_30] : memref<16x1xf32, #tpu.memory_space<vmem>>, vector<16x1xf32>
    %add3A_32 = vector.broadcast %get3A_31 : vector<16x1xf32> to vector<16x10112xf32>
    %add3A_33 = arith.addf %dot_general3A_28, %add3A_32 : vector<16x10112xf32>
    %swap3A_34 = arith.constant 0 : index
    %swap3A_35 = arith.constant 0 : index
    %swap3A_36 = vector.load %arg7[%swap3A_34, %swap3A_35] : memref<16x10112xf32, #tpu.memory_space<vmem>>, vector<16x10112xf32>
    tpu.vector_store %arg7[%swap3A_34, %swap3A_35], %add3A_33 {strides = array<i32>} : memref<16x10112xf32, #tpu.memory_space<vmem>>, vector<16x10112xf32>,
    return
  }
  func.func @transform_0(%arg0: i32) -> (i32, i32, i32) {
    %c0_i32 = arith.constant 0 : i32
    %c0_i32_0 = arith.constant 0 : i32
    %c0_i32_1 = arith.constant 0 : i32
    return %c0_i32, %c0_i32_0, %arg0 : i32, i32, i32
  }
  func.func @transform_1(%arg0: i32) -> (i32, i32) {
    %c0_i32 = arith.constant 0 : i32
    %c0_i32_0 = arith.constant 0 : i32
    return %c0_i32, %arg0 : i32, i32
  }
  func.func @transform_2(%arg0: i32) -> (i32, i32) {
    %c0_i32 = arith.constant 0 : i32
    %c0_i32_0 = arith.constant 0 : i32
    %c0_i32_1 = arith.constant 0 : i32
    return %c0_i32, %c0_i32_0 : i32, i32
  }
  func.func @transform_3(%arg0: i32) -> (i32, i32) {
    %c0_i32 = arith.constant 0 : i32
    %c0_i32_0 = arith.constant 0 : i32
    %c0_i32_1 = arith.constant 0 : i32
    return %c0_i32, %c0_i32_0 : i32, i32
  }
  func.func @transform_4(%arg0: i32) -> (i32, i32) {
    %c0_i32 = arith.constant 0 : i32
    %c0_i32_0 = arith.constant 0 : i32
    %c0_i32_1 = arith.constant 0 : i32
    return %c0_i32, %c0_i32_0 : i32, i32
  }
  func.func @transform_5(%arg0: i32) -> (i32, i32) {
    %c0_i32 = arith.constant 0 : i32
    %c0_i32_0 = arith.constant 0 : i32
    return %c0_i32, %arg0 : i32, i32
  }
  func.func @transform_6(%arg0: i32) -> (i32, i32) {
    %c0_i32 = arith.constant 0 : i32
    %c0_i32_0 = arith.constant 0 : i32
    return %c0_i32, %arg0 : i32, i32
  }
}

module attributes {stable_mosaic.version = 14 : i64} {
  func.func @body(%arg0: i32, %arg1: memref<3x16x10112xf32, #tpu.memory_space<vmem>>, %arg2: memref<16x10112xf32, #tpu.memory_space<vmem>>, %arg3: memref<16x16xf32, #tpu.memory_space<vmem>>, %arg4: memref<16x1xf32, #tpu.memory_space<vmem>>, %arg5: memref<1x1xf32, #tpu.memory_space<vmem>>, %arg6: memref<1x10112xf32, #tpu.memory_space<vmem>>) attributes {dimension_semantics = [#tpu.dimension_semantics<arbitrary>], iteration_bounds = array<i64: 1>, scalar_prefetch = 0 : i64, scratch_operands = 0 : i64, tpu.core_type = #tpu.core_type<tc>, window_params = [{transform_indices = @transform_0, window_bounds = array<i64: 3, 16, 10112>}, {transform_indices = @transform_1, window_bounds = array<i64: 16, 10112>}, {pipeline_mode = #tpu.pipeline_mode<synchronous>, transform_indices = @transform_2, window_bounds = array<i64: 16, 16>}, {pipeline_mode = #tpu.pipeline_mode<synchronous>, transform_indices = @transform_3, window_bounds = array<i64: 16, 1>}, {pipeline_mode = #tpu.pipeline_mode<synchronous>, transform_indices = @transform_4, window_bounds = array<i64: 1, 1>}, {transform_indices = @transform_5, window_bounds = array<i64: 1, 10112>}]} {
    %iota3A = tpu.iota {dimensions = array<i32: 0>} : vector<16x10112xi32>
    %lt3A = arith.constant 10 : i32
    %lt3A_0 = vector.broadcast %lt3A : i32 to vector<16x10112xi32>
    %lt3A_1 = arith.cmpi slt, %iota3A, %lt3A_0 : vector<16x10112xi32>
    %get3A = arith.constant 0 : index
    %get3A_2 = arith.constant 0 : index
    %get3A_3 = arith.constant 0 : index
    %get3A_4 = vector.load %arg1[%get3A, %get3A_2, %get3A_3] : memref<3x16x10112xf32, #tpu.memory_space<vmem>>, vector<1x16x10112xf32>
    %get3A_5 = vector.shape_cast %get3A_4 : vector<1x16x10112xf32> to vector<16x10112xf32>
    %get3A_6 = arith.constant 1 : index
    %get3A_7 = arith.constant 0 : index
    %get3A_8 = arith.constant 0 : index
    %get3A_9 = vector.load %arg1[%get3A_6, %get3A_7, %get3A_8] : memref<3x16x10112xf32, #tpu.memory_space<vmem>>, vector<1x16x10112xf32>
    %get3A_10 = vector.shape_cast %get3A_9 : vector<1x16x10112xf32> to vector<16x10112xf32>
    %add3A = arith.addf %get3A_5, %get3A_10 : vector<16x10112xf32>
    %get3A_11 = arith.constant 2 : index
    %get3A_12 = arith.constant 0 : index
    %get3A_13 = arith.constant 0 : index
    %get3A_14 = vector.load %arg1[%get3A_11, %get3A_12, %get3A_13] : memref<3x16x10112xf32, #tpu.memory_space<vmem>>, vector<1x16x10112xf32>
    %get3A_15 = vector.shape_cast %get3A_14 : vector<1x16x10112xf32> to vector<16x10112xf32>
    %add3A_16 = arith.addf %add3A, %get3A_15 : vector<16x10112xf32>
    %jit3A = arith.constant 0.000000e+00 : f32
    %broadcast_in_dim3A = vector.broadcast %jit3A : f32 to vector<16x10112xf32>
    %select_n3A = arith.select %lt3A_1, %add3A_16, %broadcast_in_dim3A : vector<16x10112xi1>, vector<16x10112xf32>
    %get3A_17 = arith.constant 0 : index
    %get3A_18 = arith.constant 0 : index
    %get3A_19 = vector.load %arg3[%get3A_17, %get3A_18] : memref<16x16xf32, #tpu.memory_space<vmem>>, vector<16x16xf32>
    %dot_general3A = arith.constant dense<0.000000e+00> : vector<16x10112xf32>
    %dot_general3A_20 = tpu.matmul %get3A_19, %select_n3A, %dot_general3A {dimension_numbers = #tpu.dot_dimension_numbers<[1], [0], [0], [1], [0, 0, 1, 1], [], []>, transpose_lhs_hint = false} : vector<16x16xf32>, vector<16x10112xf32>, vector<16x10112xf32> -> vector<16x10112xf32>
    %get3A_21 = arith.constant 0 : index
    %get3A_22 = arith.constant 0 : index
    %get3A_23 = vector.load %arg2[%get3A_21, %get3A_22] : memref<16x10112xf32, #tpu.memory_space<vmem>>, vector<16x10112xf32>
    %add3A_24 = arith.addf %dot_general3A_20, %get3A_23 : vector<16x10112xf32>
    %max3A = arith.constant 0.000000e+00 : f32
    %max3A_25 = vector.broadcast %max3A : f32 to vector<16x10112xf32>
    %max3A_26 = arith.maximumf %add3A_24, %max3A_25 : vector<16x10112xf32>
    %iota3A_27 = tpu.iota {dimensions = array<i32: 0>} : vector<16x10112xi32>
    %lt3A_28 = arith.constant 10 : i32
    %lt3A_29 = vector.broadcast %lt3A_28 : i32 to vector<16x10112xi32>
    %lt3A_30 = arith.cmpi slt, %iota3A_27, %lt3A_29 : vector<16x10112xi32>
    %jit3A_31 = arith.constant 0.000000e+00 : f32
    %broadcast_in_dim3A_32 = vector.broadcast %jit3A_31 : f32 to vector<16x10112xf32>
    %select_n3A_33 = arith.select %lt3A_30, %max3A_26, %broadcast_in_dim3A_32 : vector<16x10112xi1>, vector<16x10112xf32>
    %get3A_34 = arith.constant 0 : index
    %get3A_35 = arith.constant 0 : index
    %get3A_36 = vector.load %arg4[%get3A_34, %get3A_35] : memref<16x1xf32, #tpu.memory_space<vmem>>, vector<16x1xf32>
    %mul3A = vector.broadcast %get3A_36 : vector<16x1xf32> to vector<16x10112xf32>
    %mul3A_37 = arith.mulf %select_n3A_33, %mul3A : vector<16x10112xf32>
    %reduce_sum3A = arith.constant dense<0.000000e+00> : vector<10112xf32>
    %reduce_sum3A_38 = vector.multi_reduction <add>, %mul3A_37, %reduce_sum3A [0] : vector<16x10112xf32> to vector<10112xf32>
    %broadcast_in_dim3A_39 = vector.shape_cast %reduce_sum3A_38 : vector<10112xf32> to vector<1x10112xf32>
    %get3A_40 = arith.constant 0 : index
    %get3A_41 = arith.constant 0 : index
    %get3A_42 = vector.load %arg5[%get3A_40, %get3A_41] : memref<1x1xf32, #tpu.memory_space<vmem>>, vector<1x1xf32>
    %add3A_43 = vector.broadcast %get3A_42 : vector<1x1xf32> to vector<1x10112xf32>
    %add3A_44 = arith.addf %broadcast_in_dim3A_39, %add3A_43 : vector<1x10112xf32>
    %swap3A = arith.constant 0 : index
    %swap3A_45 = arith.constant 0 : index
    %swap3A_46 = vector.load %arg6[%swap3A, %swap3A_45] : memref<1x10112xf32, #tpu.memory_space<vmem>>, vector<1x10112xf32>
    tpu.vector_store %arg6[%swap3A, %swap3A_45], %add3A_44 {strides = array<i32>} : memref<1x10112xf32, #tpu.memory_space<vmem>>, vector<1x10112xf32>,
    return
  }
  func.func @transform_0(%arg0: i32) -> (i32, i32, i32) {
    %c0_i32 = arith.constant 0 : i32
    %c0_i32_0 = arith.constant 0 : i32
    %c0_i32_1 = arith.constant 0 : i32
    return %c0_i32, %c0_i32_0, %arg0 : i32, i32, i32
  }
  func.func @transform_1(%arg0: i32) -> (i32, i32) {
    %c0_i32 = arith.constant 0 : i32
    %c0_i32_0 = arith.constant 0 : i32
    return %c0_i32, %arg0 : i32, i32
  }
  func.func @transform_2(%arg0: i32) -> (i32, i32) {
    %c0_i32 = arith.constant 0 : i32
    %c0_i32_0 = arith.constant 0 : i32
    %c0_i32_1 = arith.constant 0 : i32
    return %c0_i32, %c0_i32_0 : i32, i32
  }
  func.func @transform_3(%arg0: i32) -> (i32, i32) {
    %c0_i32 = arith.constant 0 : i32
    %c0_i32_0 = arith.constant 0 : i32
    %c0_i32_1 = arith.constant 0 : i32
    return %c0_i32, %c0_i32_0 : i32, i32
  }
  func.func @transform_4(%arg0: i32) -> (i32, i32) {
    %c0_i32 = arith.constant 0 : i32
    %c0_i32_0 = arith.constant 0 : i32
    %c0_i32_1 = arith.constant 0 : i32
    return %c0_i32, %c0_i32_0 : i32, i32
  }
  func.func @transform_5(%arg0: i32) -> (i32, i32) {
    %c0_i32 = arith.constant 0 : i32
    %c0_i32_0 = arith.constant 0 : i32
    return %c0_i32, %arg0 : i32, i32
  }
}

</mosaic_0001>

<sc_bundles>
// kernel: kernel.10.cloned.1.call-start
scs
__scs_entry_jumppad:
0x0: {  	(pc) =	sbr.rel $0x88, $3  }
0x1: {  	(tag) =	ssettag $0x0;
	lr =	simm.s32 $0x1  }
0x2: {  	[smem:$0x3F96] =	sst lr;
	_ =	strace $0xD0000000  }
0x3: {  	_ = 	snop  }
0x4: {  	_ = 	snop  }
0x5: {  	_ = 	snop  }
0x6: {  	_ = 	snop  }
0x7: {  	_ = 	snop  }
__scs_overlays_trampoline_lowered:
0x8: {  	[smem:$0x3FA5] =	sst s0  }
0x9: {  	[smem:$0x3FA6] =	sst s1  }
0xa: {  	[smem:$0x3FA7] =	sst s2  }
0xb: {  	[smem:$0x3FA8] =	sst s3  }
0xc: {  	[smem:$0x3FA9] =	sst s4  }
0xd: {  	[smem:$0x3FAA] =	sst s5  }
0xe: {  	[smem:$0x3FAB] =	sst s6  }
0xf: {  	[smem:$0x3FAC] =	sst s7  }
0x10: {  	[smem:$0x3FAD] =	sst s8  }
0x11: {  	[smem:$0x3FAE] =	sst s9;
	s0 =	simm.s32 @!p0 $0x0  }
0x12: {  	s1 =	sld [smem:$0x3F94];
	s0 =	simm.s32 @p0 $0x1  }
0x13: {  	[smem:$0x3FAF] =	sst s0;
	s0 =	simm.s32 @!p1 $0x0  }
0x14: {  	s2 =	sld [smem:$0x3F93];
	s0 =	simm.s32 @p1 $0x1  }
0x15: {  	[smem:$0x3FB0] =	sst s0;
	s0 =	simm.s32 @!p2 $0x0  }
0x16: {  	s3 =	sld [smem:$0x3FDB];
	s0 =	simm.s32 @p2 $0x1  }
0x17: {  	s4 =	simm.s32 $0x1BF5;
	[smem:$0x3FB2] =	sst s0  }
0x18: {  	s0 =	sld [smem:$0x3F95];
	_ =	swait.ge [sflag:s4], $0x0  }
0x19: {  	s7 =	sld [smem:$0x3F96]  }
0x1a: {  	s8 =	sadd.s32 $0xFFFFE003, lr  }
0x1b: {  	s9 =	sadd.s32 $0xFFFFFEF7, lr;
	s5 =	simm.s32 $0xFFFFFFFF;
	p2 =	slt.u32 s8, $0xFFFFF086  }
0x1c: {  	p1 =	slt.u32 s9, $0xF7A;
	s5 =	simm.s32 @!p2 $0x0  }
0x1d: {  	s5 =	simm.s32 @p1 $0x1;
	p0 =	seq.s32 s7, s2  }
0x1e: {  	s7 =	smul.u32 @!p0 $0xF7A, s2;
	p2 =	seq.s32 @!p0 s5, $0x0  }
0x1f: {  	s9 =	smul.u32 $0xF7A, s1;
	s8 =	simm.s32 @!p0 $0x1BF5;
	p2 =	por !p2, p0  }
0x20: {  	[sflag:s8] =	ssyncset.s32 @!p0 $0xFFFFF086;
	s6 =	sadd.s32 @!p0 s3, s7;
	s7 =	simm.s32 @!p0 $0x108  }
0x21: {  	s3 =	sadd.s32 s3, s9;
	s6 =	sadd.s32 @!p0 $0x88, s6;
	s7 =	simm.s32 @p2 $0x1082  }
0x22: {  	[simem:s7], [sflag:s8] =	dma.local @!p0 [hbm:s6], $0xF7A  }
0x23: {  	s9 =	sor.u32 $0xD0000000, s2;
	s6 =	simm.s32 $0x108;
	_ =	swait.ge @!p0 [sflag:s8], $0x0  }
0x24: {  	s3 =	sadd.s32 $0x88, s3;
	s6 =	simm.s32 @!p1 $0x1082;
	[sflag:s4] =	ssyncset.s32 $0xFFFFF086  }
0x25: {  	[simem:s6], [sflag:s4] =	dma.local [hbm:s3], $0xF7A  }
0x26: {  	[smem:$0x3F96] =	sst s1;
	(tag) =	ssettag s2;
	_ =	strace s9  }
0x27: {  	s1 =	sld [smem:$0x3FA6]  }
0x28: {  	s2 =	sld [smem:$0x3FA7]  }
0x29: {  	s4 =	sld [smem:$0x3FA9]  }
0x2a: {  	p0 =	seq.s32 s5, $0x0;
	s5 =	sld [smem:$0x3FAA]  }
0x2b: {  	s6 =	sld [smem:$0x3FAB]  }
0x2c: {  	s7 =	sld [smem:$0x3FAC]  }
0x2d: {  	s3 =	simm.s32 $0x108;
	s8 =	sld [smem:$0x3FAD]  }
0x2e: {  	s3 =	simm.s32 @!p0 $0x1082;
	s9 =	sld [smem:$0x3FAE]  }
0x2f: {  	lr =	sadd.s32 s0, s3;
	s0 =	sld [smem:$0x3FA5]  }
0x30: {  	s3 =	sld [smem:$0x3FA8]  }
0x31: {  	[smem:$0x3FB1] =	sst s10  }
0x32: {  	s10 =	sld [smem:$0x3FAF];
	_ =	sdelay $0x3  }
0x33: {  	p0 =	seq.s32 s10, $0x1;
	s10 =	sld [smem:$0x3FB1];
	_ =	sdelay $0x3  }
0x34: {  	[smem:$0x3FB1] =	sst s10  }
0x35: {  	s10 =	sld [smem:$0x3FB0];
	_ =	sdelay $0x3  }
0x36: {  	p1 =	seq.s32 s10, $0x1;
	s10 =	sld [smem:$0x3FB1];
	_ =	sdelay $0x3  }
0x37: {  	[smem:$0x3FB1] =	sst s10  }
0x38: {  	s10 =	sld [smem:$0x3FB2]  }
0x39: {  	_ = 	snop;
	(pc) =	sbr.ind lr, $3  }
0x3a: {  	_ = 	snop  }
0x3b: {  	_ = 	snop  }
0x3c: {  	p2 =	seq.s32 s10, $0x1;
	s10 =	sld [smem:$0x3FB1]  }
0x3d: {  	_ =	shalt  }
0x3e: {  	_ =	shalt  }
0x3f: {  	_ =	shalt  }
0x40: {  	_ =	shalt  }
0x41: {  	_ =	shalt  }
0x42: {  	_ =	shalt  }
0x43: {  	_ =	shalt  }
0x44: {  	_ =	shalt  }
0x45: {  	_ =	shalt  }
0x46: {  	_ =	shalt  }
0x47: {  	_ =	shalt  }
0x48: {  	_ =	shalt  }
0x49: {  	_ =	shalt  }
0x4a: {  	_ =	shalt  }
0x4b: {  	_ =	shalt  }
0x4c: {  	_ =	shalt  }
0x4d: {  	_ =	shalt  }
0x4e: {  	_ =	shalt  }
0x4f: {  	_ =	shalt  }
0x50: {  	_ =	shalt  }
0x51: {  	_ =	shalt  }
0x52: {  	_ =	shalt  }
0x53: {  	_ =	shalt  }
0x54: {  	_ =	shalt  }
0x55: {  	_ =	shalt  }
0x56: {  	_ =	shalt  }
0x57: {  	_ =	shalt  }
0x58: {  	_ =	shalt  }
0x59: {  	_ =	shalt  }
0x5a: {  	_ =	shalt  }
0x5b: {  	_ =	shalt  }
0x5c: {  	_ =	shalt  }
0x5d: {  	_ =	shalt  }
0x5e: {  	_ =	shalt  }
0x5f: {  	_ =	shalt  }
0x60: {  	_ =	shalt  }
0x61: {  	_ =	shalt  }
0x62: {  	_ =	shalt  }
0x63: {  	_ =	shalt  }
0x64: {  	_ =	shalt  }
0x65: {  	_ =	shalt  }
0x66: {  	_ =	shalt  }
0x67: {  	_ =	shalt  }
0x68: {  	_ =	shalt  }
0x69: {  	_ =	shalt  }
0x6a: {  	_ =	shalt  }
0x6b: {  	_ =	shalt  }
0x6c: {  	_ =	shalt  }
0x6d: {  	_ =	shalt  }
0x6e: {  	_ =	shalt  }
0x6f: {  	_ =	shalt  }
0x70: {  	_ =	shalt  }
0x71: {  	_ =	shalt  }
0x72: {  	_ =	shalt  }
0x73: {  	_ =	shalt  }
0x74: {  	_ =	shalt  }
0x75: {  	_ =	shalt  }
0x76: {  	_ =	shalt  }
0x77: {  	_ =	shalt  }
0x78: {  	_ =	shalt  }
0x79: {  	_ =	shalt  }
0x7a: {  	_ =	shalt  }
0x7b: {  	_ =	shalt  }
0x7c: {  	_ =	shalt  }
0x7d: {  	_ =	shalt  }
0x7e: {  	_ =	shalt  }
0x7f: {  	_ =	shalt  }
0x80: {  	_ =	shalt  }
0x81: {  	_ =	shalt  }
0x82: {  	_ =	shalt  }
0x83: {  	_ =	shalt  }
0x84: {  	_ =	shalt  }
0x85: {  	_ =	shalt  }
0x86: {  	_ =	shalt  }
0x87: {  	_ =	shalt  }
.Lfunc_end0:
.L_simem_size_0:
called_computation.1_lowered:
.L_overlay_start_0:
0x88: {  	s2 =	sld [smem:$0x3FD9]  }
0x89: {  	s3 =	sld [smem:$0x3FFE];
	_ =	sdelay $0x1  }
0x8a: {  	s1 =	srdreg.scid  }
0x8b: {  	s0 =	sand.u32 $0x1, s1  }
0x8c: {  	s16 =	sshll.u32 s0, $0xA;
	s2 =	sadd.s32 s3, s2  }
0x8d: {  	s2 =	sadd.s32 s2, s16  }
0x8e: {  	[smem:$0x3FBD] =	sst s2  }
0x8f: {  	_ = 	snop  }
0x90: {  	(tm) =	ssettm $0x1  }
0x91: {  	s17 =	sld [smem:$0x3FFB];
	_ =	sdelay $0x3  }
0x92: {  	_ =	strace s17  }
0x93: {  	s2 =	sld [smem:$0x3FFC];
	_ =	sdelay $0x3  }
0x94: {  	_ =	strace s2  }
0x95: {  	s2 =	sld [smem:$0x3FFD];
	_ =	sdelay $0x3  }
0x96: {  	_ =	strace s2  }
0x97: {  	_ =	strace $0x8FFFFFFF  }
0x98: {  	s18 =	sld [smem:$0x3FDB];
	_ =	sdelay $0x1  }
0x99: {  	s19 =	simm.s32 $_scs_section_size  }
0x9a: {  	s4 =	simm.s32 $_size__tile_overlayer_lowered;
	s5 =	simm.s32 $_tile_overlayer_lowered  }
0x9b: {  	s22 =	simm.s32 $0x1BFF;
	s21 =	sshll.u32 s5, $0x1;
	s2 =	sadd.s32 s19, s18  }
0x9c: {  	s6 =	simm.s32 $0x0;
	s20 =	sshll.u32 s4, $0x1;
	s4 =	sadd.s32 s21, s2  }
0x9d: {  	[timem:s6], [sflag:s22] =	dma.local [hbm:s4], s20  }
0x9e: {  	_ =	swait.ge [sflag:s22], s20  }
0x9f: {  	s3 =	ssub.s32 $0x0, s20;
	[sflag:s22] =	ssyncset.done $0x0  }
0xa0: {  	[sflag:s22] =	ssyncadd.s32 s3;
	_ =	sdelay $0x1  }
0xa1: {  	s23 =	simm.s32 $0x1B8B  }
0xa2: {  	_ =	swait.ge [sflag:s23], $0x1  }
0xa3: {  	[sflag:s23] =	ssyncset.done $0x0  }
0xa4: {  	s25 =	simm.s32 $0x1B8E;
	s24 =	sld [smem:$0x3FFE];
	[sflag:s23] =	ssyncadd.s32 $0xFFFFFFFF  }
0xa5: {  	s26 =	simm.s32 $execute0_lowered;
	[smem:$0x3FD2] =	sst s25  }
0xa6: {  	s4 =	sshll.u32 s26, $0x1;
	_ =	strace $0x80000049;
	[dreg:$0x1] =	wrdreg $0xFFFFFFFF  }
0xa7: {  	s28 =	simm.s32 $_size_execute0_lowered;
	s2 =	sadd.s32 s2, s4;
	[dreg:$0x0] =	wrdreg $0x0  }
0xa8: {  	s4 =	sshll.u32 s28, $0x1;
	[dreg:$0x2] =	wrdreg s2  }
0xa9: {  	[dreg:$0x3] =	wrdreg s4  }
0xaa: {  	[dreg:$0x4] =	wrdreg $0xC0  }
0xab: {  	_ =	task [dreg:s6], $0x5FFFF  }
0xac: {  	[dreg:$0x1] =	wrdreg $0xFFFFFFFF  }
0xad: {  	[dreg:$0x0] =	wrdreg $0x60  }
0xae: {  	[dreg:$0x2] =	wrdreg s24  }
0xaf: {  	[dreg:$0x3] =	wrdreg $0x9  }
0xb0: {  	_ =	task.clear_ibuf [dreg:s6], $0x4FFFF;
	_ =	strace $0x90000049  }
0xb1: {  	s29 =	simm.s32 $0x9;
	_ =	strace $0x8000004B  }
0xb2: {  	_ =	swait.ge [sflag:s29], $0x1  }
0xb3: {  	[sflag:s29] =	ssyncadd.s32 $0xFFFFFFFF  }
0xb4: {  	_ =	strace $0x9000004B  }
0xb5: {  	_ =	sfence  }
0xb6: {  	s30 =	sld [smem:$0x0];
	_ =	sdelay $0x2  }
0xb7: {  	s31 =	sshll.u32 s1, $0xD;
	s1 =	sshrl.u32 s1, $0x2  }
0xb8: {  	s3 =	sand.u32 $0x4000, s31;
	s1 =	sadd.s32 s1, s30  }
0xb9: {  	s0 =	sor.u32 s3, s0;
	s1 =	sshll.u32 s1, $0x11  }
0xba: {  	s0 =	sor.u32 s1, s0  }
0xbb: {  	s0 =	sadd.s32 $0x8F2B, s0  }
0xbc: {  	[sflag:s0] =	ssyncadd.remote.s32 $0x1  }
0xbd: {  	_ =	sfence.sel $0xFFFF  }
0xbe: {  	[dreg:$0x0] =	wrdreg $0xFFFFFFFF;
	(pc) =	sbr.abs _section_cstart, $3  }
0xbf: {  	[dreg:$0x1] =	wrdreg $0xFFFFFFFF  }
0xc0: {  	_ =	task.clear_ibuf [dreg:s6], $0x2FFFF;
	_ =	strace $0x9FFFFFFF  }
0xc1: {  	(tm) =	ssettm $0x7FFFFFFF  }
tec
execute0_lowered:
.L_overlay_start_1:
0x0: {  	(tag) =	ssettag $0x1  }
0x1: {  	s1 =	stileid.u32  }
0x2: {  	p0 =	seq.s32 s1, $0xF  }
.Ltmp0:
0x3: {  	_ = 	snop;
	(pc) =	sbr.rel @p0 .LBB2_11-.Ltmp0, $4  }
0x4: {  	_ = 	snop  }
0x5: {  	s6 =	rddreg [dreg:$0x0];
	s2 =	simm.s32 $0x0  }
0x6: {  	[smem:$0x7FF] =	sst s2  }
0x7: {  	s0 =	rddreg [dreg:$0x1];
	_ =	strace $0x8000004A  }
0x8: {  	s3 =	srdreg.scid  }
0x9: {  	s29 =	sshll.u32 s1, $0x1;
	s10 =	sand.u32 $0x1, s3  }
0xa: {  	s3 =	sor.u32 s10, s29  }
0xb: {  	s4 =	smul.u32 $0x1A, s3  }
0xc: {  	s30 =	smul.u32 $0x34, s1  }
0xd: {  	s12 =	sadd.s32 $0x1400, s6;
	s17 =	simm.s32 $0xCF00;
	s4 =	sshrl.u32 s4, $0x8  }
0xe: {  	s18 =	simm.s32 $0x6F00;
	s19 =	simm.s32 $0xAF00;
	s4 =	smul.u32 $0xA, s4  }
0xf: {  	s20 =	simm.s32 $0xEF00;
	s21 =	simm.s32 $0x1;
	s22 =	simm.s32 $0x2780  }
0x10: {  	s23 =	simm.s32 $0x2;
	s3 =	ssub.s32 s3, s4;
	s4 =	sshrl.u32 s30, $0x8  }
0x11: {  	s24 =	simm.s32 $0x0;
	s15 =	ssub.s32 $0x2, s10;
	s5 =	smul.u32 $0x27800, s4  }
0x12: {  	s31 =	sshrl.u32 s15, $0x1;
	s3 =	sand.u32 $0xFF, s3;
	s13 =	smul.u32 $0x1C000, s4  }
0x13: {  	s4 =	sadd.s32 $0x6400, s6;
	s11 =	smul.u32 $0x2780, s3;
	s3 =	sadd.s32 $0x10C00, s6  }
0x14: {  	s8 =	sshrl.u32 s13, $0x3;
	s9 =	sor.u32 $0x2000, s13;
	s10 =	sadd.s32 $0x4000, s13  }
0x15: {  	s13 =	ssub.s32 s15, s31;
	s15 =	simm.s32 $0x4F00;
	s7 =	sadd.s32 s5, s11  }
0x16: {  	s5 =	sadd.s32 $0x1B400, s6;
	s16 =	sshrl.u32 s11, $0x3;
	s13 =	smax.u32 s13, $0x1  }
0x17: {  	s7 =	sshrl.u32 s7, $0x3;
	s12 =	sadd.s32 s12, s16;
	s16 =	simm.s32 $0x8F00  }
0x18: {  	s14 =	sadd.s32 s7, s6;
	s6 =	sadd.s32 s3, s8;
	s7 =	sadd.s32 s4, s8  }
0x19: {  	v0 =	vimm.f32 $0.0e+00;
	s8 =	sadd.s32 s5, s8;
	s11 =	sadd.s32 $0x25C00, s14;
	s14 =	simm.s32 $0x3  }
.LBB2_2:
0x1a: {  	s25 =	simm.s32 $0x0  }
0x1b: {  	[tilespmem:s25], [sflag:$0x3] =	stream.linear.gather [hbm4b:s12+s25], $0x2780, $0x38;
	[tilespmem:$0x10F00] =	vst v63  }
0x1c: {  	_ =	swait.ge [sflag:s14], $0x2780  }
0x1d: {  	[sflag:s14] =	ssyncset.done $0x0  }
0x1e: {  	s26 =	simm.s32 $0x0;
	s25 =	simm.s32 $0x40;
	[sflag:s14] =	ssyncadd.s32 $0xFFFFD880  }
.LBB2_3:
0x1f: {  	p0 =	sne.s32 s25, $0x9DC0;
	[tilespmem:s26+$0x2780] =	vst v0;
	s26 =	smov.u32 s25;
	s25 =	sadd.s32 $0x40, s25  }
.Ltmp1:
0x20: {  	(pc) =	sbr.rel @p0 .LBB2_3-.Ltmp1, $2  }
0x21: {  	_ =	sdelay $0x2  }
0x22: {  	s26 =	sshra.s32 s26, $0x2  }
0x23: {  	[tilespmem:s26+$0x2780] =	vst v0;
	s25 =	simm.s32 $0x0  }
0x24: {  	[tilespmem:s15], [sflag:$0x1] =	stream.linear.gather [hbm4b:s6+s25], $0x2000, $0x38;
	[tilespmem:$0x10F00] =	vst v63  }
0x25: {  	_ = 	snop  }
0x26: {  	[tilespmem:s16], [sflag:$0x1] =	stream.linear.gather [hbm4b:s7+s25], $0x2000, $0x38;
	[tilespmem:$0x10F00] =	vst v63  }
0x27: {  	s26 =	simm.s32 $0x0  }
0x28: {  	[tilespmem:s17], [sflag:$0x1] =	stream.linear.gather [hbm4b:s8+s25], $0x2000, $0x38;
	[tilespmem:$0x10F00] =	vst v63  }
.LBB2_5:
0x29: {  	s28 =	sshll.u32 s26, $0xE  }
0x2a: {  	s29 =	sadd.s32 s28, s9  }
0x2b: {  	s29 =	sshrl.u32 s29, $0x3  }
0x2c: {  	s30 =	sadd.s32 s3, s29  }
0x2d: {  	[tilespmem:s18], [sflag:$0x2] =	stream.linear.gather [hbm4b:s30+s25], $0x2000, $0x38;
	[tilespmem:$0x10F00] =	vst v63  }
0x2e: {  	s31 =	sadd.s32 s4, s29  }
0x2f: {  	[tilespmem:s19], [sflag:$0x2] =	stream.linear.gather [hbm4b:s31+s25], $0x2000, $0x38;
	[tilespmem:$0x10F00] =	vst v63  }
0x30: {  	s29 =	sadd.s32 s5, s29  }
0x31: {  	[tilespmem:s20], [sflag:$0x2] =	stream.linear.gather [hbm4b:s29+s25], $0x2000, $0x38;
	[tilespmem:$0x10F00] =	vst v63  }
0x32: {  	_ =	swait.ge [sflag:s21], $0x2000  }
0x33: {  	[sflag:s21] =	ssyncset.done $0x0  }
0x34: {  	[sflag:s21] =	ssyncadd.s32 $0xFFFFE000  }
0x35: {  	_ =	swait.ge [sflag:s21], $0x2000  }
0x36: {  	[sflag:s21] =	ssyncset.done $0x0  }
0x37: {  	[sflag:s21] =	ssyncadd.s32 $0xFFFFE000  }
0x38: {  	_ =	swait.ge [sflag:s21], $0x2000  }
0x39: {  	[sflag:s21] =	ssyncset.done $0x0  }
0x3a: {  	s29 =	simm.s32 $0x0;
	[sflag:s21] =	ssyncadd.s32 $0xFFFFE000  }
0x3b: {  	v2 =	vld [tilespmem:s29+$0xCF20]  }
0x3c: {  	v1 =	vld [tilespmem:s29+$0xCF00]  }
0x3d: {  	v3 =	vld [tilespmem:s29+$0xCF10]  }
0x3e: {  	v4 =	vld [tilespmem:s29+$0xCF50]  }
0x3f: {  	v5 =	vld [tilespmem:s29+$0xCF40]  }
0x40: {  	v6 =	vld [tilespmem:s29+$0x4F50]  }
0x41: {  	v7 =	vld [tilespmem:s29+$0x4F60]  }
0x42: {  	v8 =	vld [tilespmem:s29+$0x4F70]  }
0x43: {  	v9 =	vld [tilespmem:s29+$0x8F10]  }
0x44: {  	v10 =	vld [tilespmem:s29+$0x8F00]  }
0x45: {  	v11 =	vld [tilespmem:s29+$0x4F20]  }
0x46: {  	v12 =	vld [tilespmem:s29+$0xCF60]  }
0x47: {  	v13 =	vld [tilespmem:s29+$0x4F40]  }
0x48: {  	v14 =	vld [tilespmem:s29+$0x4F30]  }
0x49: {  	v15 =	vld [tilespmem:s29+$0x4F10]  }
0x4a: {  	v16 =	vld [tilespmem:s29+$0x4F00]  }
0x4b: {  	v17 =	vld [tilespmem:s29+$0xCF30]  }
0x4c: {  	v18 =	vld [tilespmem:s29+$0x8F30]  }
0x4d: {  	v19 =	vld [tilespmem:s29+$0x8F20]  }
0x4e: {  	v20 =	vld [tilespmem:s29+$0x8F40]  }
0x4f: {  	v21 =	vld [tilespmem:s29+$0x8F50]  }
0x50: {  	v22 =	vld [tilespmem:s29+$0x8F60]  }
0x51: {  	v23 =	vld [tilespmem:s29+$0xCF70]  }
0x52: {  	v7 =	vld.idx.msk [tilespmem:v7+s2+$0x0], $0xffff  }
0x53: {  	v11 =	vld.idx.msk [tilespmem:v11+s2+$0x0], $0xffff  }
0x54: {  	v16 =	vld.idx.msk [tilespmem:v16+s2+$0x0], $0xffff  }
0x55: {  	v15 =	vld.idx.msk [tilespmem:v15+s2+$0x0], $0xffff  }
0x56: {  	v13 =	vld.idx.msk [tilespmem:v13+s2+$0x0], $0xffff  }
0x57: {  	v14 =	vld.idx.msk [tilespmem:v14+s2+$0x0], $0xffff  }
0x58: {  	v6 =	vld.idx.msk [tilespmem:v6+s2+$0x0], $0xffff  }
0x59: {  	v8 =	vld.idx.msk [tilespmem:v8+s2+$0x0], $0xffff;
	v16 =	vmul.f32 v16, v1  }
0x5a: {  	v3 =	vmul.f32 v15, v3;
	v1 =	vld [tilespmem:s29+$0x8F70]  }
0x5b: {  	v2 =	vmul.f32 v11, v2;
	[tilespmem:v10+s22+$0x0] =	vst.idx.add.f32.msk $0xffff, v16  }
0x5c: {  	v62 =	vmul.f32 v14, v17;
	[tilespmem:v9+s22+$0x0] =	vst.idx.add.f32.msk $0xffff, v3  }
0x5d: {  	v3 =	vmul.f32 v13, v5;
	[tilespmem:v19+s22+$0x0] =	vst.idx.add.f32.msk $0xffff, v2  }
0x5e: {  	v2 =	vmul.f32 v6, v4;
	[tilespmem:v18+s22+$0x0] =	vst.idx.add.f32.msk $0xffff, v62  }
0x5f: {  	v63 =	vmul.f32 v7, v12;
	[tilespmem:v20+s22+$0x0] =	vst.idx.add.f32.msk $0xffff, v3  }
0x60: {  	[tilespmem:v21+s22+$0x0] =	vst.idx.add.f32.msk $0xffff, v2;
	v2 =	vmul.f32 v8, v23  }
0x61: {  	s29 =	simm.s32 $0x200;
	[tilespmem:v22+s22+$0x0] =	vst.idx.add.f32.msk $0xffff, v63  }
.LBB2_6:
0x62: {  	s30 =	sshra.s32 s29, $0x2;
	p0 =	sne.s32 s29, $0x7E00;
	s29 =	sadd.s32 $0x200, s29;
	[tilespmem:v1+s22+$0x0] =	vst.idx.add.f32.msk $0xffff, v2  }
0x63: {  	v1 =	vld [tilespmem:s30+$0xCF20]  }
0x64: {  	v2 =	vld [tilespmem:s30+$0xCF00]  }
0x65: {  	v3 =	vld [tilespmem:s30+$0xCF10]  }
0x66: {  	v4 =	vld [tilespmem:s30+$0xCF50]  }
0x67: {  	v5 =	vld [tilespmem:s30+$0xCF40]  }
0x68: {  	v6 =	vld [tilespmem:s30+$0x4F50]  }
0x69: {  	v7 =	vld [tilespmem:s30+$0x4F60]  }
0x6a: {  	v8 =	vld [tilespmem:s30+$0x4F70]  }
0x6b: {  	v9 =	vld [tilespmem:s30+$0x8F10]  }
0x6c: {  	v10 =	vld [tilespmem:s30+$0x8F00]  }
0x6d: {  	v11 =	vld [tilespmem:s30+$0x4F20]  }
0x6e: {  	v12 =	vld [tilespmem:s30+$0xCF60]  }
0x6f: {  	v13 =	vld [tilespmem:s30+$0x4F40]  }
0x70: {  	v14 =	vld [tilespmem:s30+$0x4F30]  }
0x71: {  	v7 =	vld.idx.msk [tilespmem:v7+s2+$0x0], $0xffff  }
0x72: {  	v15 =	vld [tilespmem:s30+$0x4F10]  }
0x73: {  	v16 =	vld [tilespmem:s30+$0x4F00]  }
0x74: {  	v17 =	vld [tilespmem:s30+$0xCF30]  }
0x75: {  	v11 =	vld.idx.msk [tilespmem:v11+s2+$0x0], $0xffff  }
0x76: {  	v18 =	vld [tilespmem:s30+$0x8F30]  }
0x77: {  	v13 =	vld.idx.msk [tilespmem:v13+s2+$0x0], $0xffff  }
0x78: {  	v7 =	vmul.f32 v7, v12;
	v6 =	vld.idx.msk [tilespmem:v6+s2+$0x0], $0xffff  }
0x79: {  	v12 =	vld [tilespmem:s30+$0x8F20]  }
0x7a: {  	v15 =	vld.idx.msk [tilespmem:v15+s2+$0x0], $0xffff  }
0x7b: {  	v11 =	vmul.f32 v11, v1;
	v16 =	vld.idx.msk [tilespmem:v16+s2+$0x0], $0xffff  }
0x7c: {  	v14 =	vld.idx.msk [tilespmem:v14+s2+$0x0], $0xffff  }
0x7d: {  	v5 =	vmul.f32 v13, v5;
	v19 =	vld [tilespmem:s30+$0x8F40]  }
0x7e: {  	v4 =	vmul.f32 v6, v4;
	v13 =	vld [tilespmem:s30+$0x8F50]  }
0x7f: {  	v6 =	vld [tilespmem:s30+$0x8F60]  }
0x80: {  	v3 =	vmul.f32 v15, v3;
	v8 =	vld.idx.msk [tilespmem:v8+s2+$0x0], $0xffff  }
0x81: {  	v2 =	vmul.f32 v16, v2;
	v15 =	vld [tilespmem:s30+$0xCF70]  }
0x82: {  	v14 =	vmul.f32 v14, v17;
	v1 =	vld [tilespmem:s30+$0x8F70]  }
0x83: {  	[tilespmem:v10+s22+$0x0] =	vst.idx.add.f32.msk $0xffff, v2  }
0x84: {  	[tilespmem:v9+s22+$0x0] =	vst.idx.add.f32.msk $0xffff, v3  }
.Ltmp2:
0x85: {  	[tilespmem:v12+s22+$0x0] =	vst.idx.add.f32.msk $0xffff, v11;
	(pc) =	sbr.rel @p0 .LBB2_6-.Ltmp2, $4  }
0x86: {  	v2 =	vmul.f32 v8, v15;
	[tilespmem:v18+s22+$0x0] =	vst.idx.add.f32.msk $0xffff, v14  }
0x87: {  	[tilespmem:v19+s22+$0x0] =	vst.idx.add.f32.msk $0xffff, v5  }
0x88: {  	[tilespmem:v13+s22+$0x0] =	vst.idx.add.f32.msk $0xffff, v4  }
0x89: {  	[tilespmem:v6+s22+$0x0] =	vst.idx.add.f32.msk $0xffff, v7  }
0x8a: {  	_ = 	snop  }
0x8b: {  	p0 =	seq.s32 s26, $0x6  }
0x8c: {  	s28 =	sadd.s32 @!p0 s28, s10  }
0x8d: {  	s28 =	sshrl.u32 @!p0 s28, $0x3  }
0x8e: {  	[tilespmem:v1+s22+$0x0] =	vst.idx.add.f32.msk $0xffff, v2;
	s30 =	simm.s32 @!p0 $0x0;
	s31 =	simm.s32 @!p0 $0x4F00;
	s29 =	sadd.s32 @!p0 s3, s28  }
0x8f: {  	[tilespmem:s31], [sflag:$0x1] =	stream.linear.gather @!p0 [hbm4b:s29+s30], $0x2000, $0x38;
	[tilespmem:$0x10F00] =	vst v63  }
0x90: {  	s29 =	sadd.s32 @!p0 s4, s28;
	s31 =	simm.s32 @!p0 $0x8F00  }
0x91: {  	[tilespmem:s31], [sflag:$0x1] =	stream.linear.gather @!p0 [hbm4b:s29+s30], $0x2000, $0x38;
	[tilespmem:$0x10F00] =	vst v63  }
0x92: {  	s28 =	sadd.s32 @!p0 s5, s28;
	s29 =	simm.s32 @!p0 $0xCF00  }
0x93: {  	[tilespmem:s29], [sflag:$0x1] =	stream.linear.gather @!p0 [hbm4b:s28+s30], $0x2000, $0x38;
	[tilespmem:$0x10F00] =	vst v63  }
0x94: {  	_ =	swait.ge [sflag:s23], $0x2000  }
0x95: {  	[sflag:s23] =	ssyncset.done $0x0  }
0x96: {  	[sflag:s23] =	ssyncadd.s32 $0xFFFFE000  }
0x97: {  	_ =	swait.ge [sflag:s23], $0x2000  }
0x98: {  	[sflag:s23] =	ssyncset.done $0x0  }
0x99: {  	[sflag:s23] =	ssyncadd.s32 $0xFFFFE000  }
0x9a: {  	_ =	swait.ge [sflag:s23], $0x2000  }
0x9b: {  	[sflag:s23] =	ssyncset.done $0x0  }
0x9c: {  	s28 =	simm.s32 $0x0;
	[sflag:s23] =	ssyncadd.s32 $0xFFFFE000  }
0x9d: {  	v2 =	vld [tilespmem:s28+$0xEF20]  }
0x9e: {  	v1 =	vld [tilespmem:s28+$0xEF00]  }
0x9f: {  	v3 =	vld [tilespmem:s28+$0xEF10]  }
0xa0: {  	v4 =	vld [tilespmem:s28+$0xEF50]  }
0xa1: {  	v5 =	vld [tilespmem:s28+$0xEF40]  }
0xa2: {  	v6 =	vld [tilespmem:s28+$0x6F50]  }
0xa3: {  	v7 =	vld [tilespmem:s28+$0x6F60]  }
0xa4: {  	v8 =	vld [tilespmem:s28+$0x6F70]  }
0xa5: {  	v9 =	vld [tilespmem:s28+$0xAF10]  }
0xa6: {  	v10 =	vld [tilespmem:s28+$0xAF00]  }
0xa7: {  	v11 =	vld [tilespmem:s28+$0x6F20]  }
0xa8: {  	v12 =	vld [tilespmem:s28+$0xEF60]  }
0xa9: {  	v13 =	vld [tilespmem:s28+$0x6F40]  }
0xaa: {  	v14 =	vld [tilespmem:s28+$0x6F30]  }
0xab: {  	v15 =	vld [tilespmem:s28+$0x6F10]  }
0xac: {  	v16 =	vld [tilespmem:s28+$0x6F00]  }
0xad: {  	v17 =	vld [tilespmem:s28+$0xEF30]  }
0xae: {  	v18 =	vld [tilespmem:s28+$0xAF30]  }
0xaf: {  	v19 =	vld [tilespmem:s28+$0xAF20]  }
0xb0: {  	v20 =	vld [tilespmem:s28+$0xAF40]  }
0xb1: {  	v21 =	vld [tilespmem:s28+$0xAF50]  }
0xb2: {  	v22 =	vld [tilespmem:s28+$0xAF60]  }
0xb3: {  	v23 =	vld [tilespmem:s28+$0xEF70]  }
0xb4: {  	v7 =	vld.idx.msk [tilespmem:v7+s2+$0x0], $0xffff  }
0xb5: {  	v11 =	vld.idx.msk [tilespmem:v11+s2+$0x0], $0xffff  }
0xb6: {  	v16 =	vld.idx.msk [tilespmem:v16+s2+$0x0], $0xffff  }
0xb7: {  	v15 =	vld.idx.msk [tilespmem:v15+s2+$0x0], $0xffff  }
0xb8: {  	v13 =	vld.idx.msk [tilespmem:v13+s2+$0x0], $0xffff  }
0xb9: {  	v14 =	vld.idx.msk [tilespmem:v14+s2+$0x0], $0xffff  }
0xba: {  	v6 =	vld.idx.msk [tilespmem:v6+s2+$0x0], $0xffff  }
0xbb: {  	v8 =	vld.idx.msk [tilespmem:v8+s2+$0x0], $0xffff;
	v16 =	vmul.f32 v16, v1  }
0xbc: {  	v3 =	vmul.f32 v15, v3;
	v1 =	vld [tilespmem:s28+$0xAF70]  }
0xbd: {  	v2 =	vmul.f32 v11, v2;
	[tilespmem:v10+s22+$0x0] =	vst.idx.add.f32.msk $0xffff, v16  }
0xbe: {  	v62 =	vmul.f32 v14, v17;
	[tilespmem:v9+s22+$0x0] =	vst.idx.add.f32.msk $0xffff, v3  }
0xbf: {  	v3 =	vmul.f32 v13, v5;
	[tilespmem:v19+s22+$0x0] =	vst.idx.add.f32.msk $0xffff, v2  }
0xc0: {  	v2 =	vmul.f32 v6, v4;
	[tilespmem:v18+s22+$0x0] =	vst.idx.add.f32.msk $0xffff, v62  }
0xc1: {  	v63 =	vmul.f32 v7, v12;
	[tilespmem:v20+s22+$0x0] =	vst.idx.add.f32.msk $0xffff, v3  }
0xc2: {  	[tilespmem:v21+s22+$0x0] =	vst.idx.add.f32.msk $0xffff, v2;
	v2 =	vmul.f32 v8, v23  }
0xc3: {  	s28 =	simm.s32 $0x200;
	[tilespmem:v22+s22+$0x0] =	vst.idx.add.f32.msk $0xffff, v63  }
.LBB2_8:
0xc4: {  	s29 =	sshra.s32 s28, $0x2;
	p0 =	sne.s32 s28, $0x7E00;
	s28 =	sadd.s32 $0x200, s28;
	[tilespmem:v1+s22+$0x0] =	vst.idx.add.f32.msk $0xffff, v2  }
0xc5: {  	v1 =	vld [tilespmem:s29+$0xEF20]  }
0xc6: {  	v2 =	vld [tilespmem:s29+$0xEF00]  }
0xc7: {  	v3 =	vld [tilespmem:s29+$0xEF10]  }
0xc8: {  	v4 =	vld [tilespmem:s29+$0xEF50]  }
0xc9: {  	v5 =	vld [tilespmem:s29+$0xEF40]  }
0xca: {  	v6 =	vld [tilespmem:s29+$0x6F50]  }
0xcb: {  	v7 =	vld [tilespmem:s29+$0x6F60]  }
0xcc: {  	v8 =	vld [tilespmem:s29+$0x6F70]  }
0xcd: {  	v9 =	vld [tilespmem:s29+$0xAF10]  }
0xce: {  	v10 =	vld [tilespmem:s29+$0xAF00]  }
0xcf: {  	v11 =	vld [tilespmem:s29+$0x6F20]  }
0xd0: {  	v12 =	vld [tilespmem:s29+$0xEF60]  }
0xd1: {  	v13 =	vld [tilespmem:s29+$0x6F40]  }
0xd2: {  	v14 =	vld [tilespmem:s29+$0x6F30]  }
0xd3: {  	v7 =	vld.idx.msk [tilespmem:v7+s2+$0x0], $0xffff  }
0xd4: {  	v15 =	vld [tilespmem:s29+$0x6F10]  }
0xd5: {  	v16 =	vld [tilespmem:s29+$0x6F00]  }
0xd6: {  	v17 =	vld [tilespmem:s29+$0xEF30]  }
0xd7: {  	v11 =	vld.idx.msk [tilespmem:v11+s2+$0x0], $0xffff  }
0xd8: {  	v18 =	vld [tilespmem:s29+$0xAF30]  }
0xd9: {  	v13 =	vld.idx.msk [tilespmem:v13+s2+$0x0], $0xffff  }
0xda: {  	v7 =	vmul.f32 v7, v12;
	v6 =	vld.idx.msk [tilespmem:v6+s2+$0x0], $0xffff  }
0xdb: {  	v12 =	vld [tilespmem:s29+$0xAF20]  }
0xdc: {  	v15 =	vld.idx.msk [tilespmem:v15+s2+$0x0], $0xffff  }
0xdd: {  	v11 =	vmul.f32 v11, v1;
	v16 =	vld.idx.msk [tilespmem:v16+s2+$0x0], $0xffff  }
0xde: {  	v14 =	vld.idx.msk [tilespmem:v14+s2+$0x0], $0xffff  }
0xdf: {  	v5 =	vmul.f32 v13, v5;
	v19 =	vld [tilespmem:s29+$0xAF40]  }
0xe0: {  	v4 =	vmul.f32 v6, v4;
	v13 =	vld [tilespmem:s29+$0xAF50]  }
0xe1: {  	v6 =	vld [tilespmem:s29+$0xAF60]  }
0xe2: {  	v3 =	vmul.f32 v15, v3;
	v8 =	vld.idx.msk [tilespmem:v8+s2+$0x0], $0xffff  }
0xe3: {  	v2 =	vmul.f32 v16, v2;
	v15 =	vld [tilespmem:s29+$0xEF70]  }
0xe4: {  	v14 =	vmul.f32 v14, v17;
	v1 =	vld [tilespmem:s29+$0xAF70]  }
0xe5: {  	[tilespmem:v10+s22+$0x0] =	vst.idx.add.f32.msk $0xffff, v2  }
0xe6: {  	[tilespmem:v9+s22+$0x0] =	vst.idx.add.f32.msk $0xffff, v3  }
.Ltmp3:
0xe7: {  	[tilespmem:v12+s22+$0x0] =	vst.idx.add.f32.msk $0xffff, v11;
	(pc) =	sbr.rel @p0 .LBB2_8-.Ltmp3, $4  }
0xe8: {  	v2 =	vmul.f32 v8, v15;
	[tilespmem:v18+s22+$0x0] =	vst.idx.add.f32.msk $0xffff, v14  }
0xe9: {  	[tilespmem:v19+s22+$0x0] =	vst.idx.add.f32.msk $0xffff, v5  }
0xea: {  	[tilespmem:v13+s22+$0x0] =	vst.idx.add.f32.msk $0xffff, v4  }
0xeb: {  	[tilespmem:v6+s22+$0x0] =	vst.idx.add.f32.msk $0xffff, v7  }
0xec: {  	s26 =	sadd.s32 $0x1, s26  }
0xed: {  	p0 =	sne.s32 s26, $0x7  }
.Ltmp4:
0xee: {  	_ = 	snop;
	(pc) =	sbr.rel @p0 .LBB2_5-.Ltmp4, $2  }
0xef: {  	_ =	sdelay $0x2  }
0xf0: {  	[tilespmem:v1+s22+$0x0] =	vst.idx.add.f32.msk $0xffff, v2  }
0xf1: {  	s24 =	sadd.s32 $0x1, s24  }
0xf2: {  	p0 =	sne.s32 s24, s13  }
.Ltmp5:
0xf3: {  	_ = 	snop;
	(pc) =	sbr.rel @p0 .LBB2_2-.Ltmp5, $4  }
0xf4: {  	[hbm4b:s11+s2] =	stream.linear.scatter [tilespmem:s22], [sflag:$0x3], $0x2780, $0x38;
	[tilespmem:$0x10F00] =	vst v63  }
0xf5: {  	_ =	swait.ge [sflag:s14], $0x2780  }
0xf6: {  	[sflag:s14] =	ssyncset.done $0x0  }
0xf7: {  	[sflag:s14] =	ssyncadd.s32 $0xFFFFD880  }
.LBB2_11:
0xf8: {  	_ =	sfence.sel $0x180000  }
0xf9: {  	[bflag:$0x0] =	sbarrier.arrive $0xFFFF  }
0xfa: {  	p0 =	sne.s32 s1, $0x0;
	_ =	strace $0x9000004A  }
0xfb: {  	s0 =	sadd.s32 @!p0 $0x100000, s0;
	[bflag:$0x2] =	sbarrier.arrive $0xFFFF  }
0xfc: {  	[sflag:s0] =	ssyncadd.tile.s32 @!p0 $0x1;
	_ =	shalt  }
.Lfunc_end2:
_tile_overlayer_lowered:
.L_overlay_start_2:
0xfd: {  	(tag) =	ssettag $0x2  }
0xfe: {  	s0 =	rddreg [dreg:$0x0];
	s2 =	stileid.u32  }
0xff: {  	s1 =	rddreg [dreg:$0x1];
	p0 =	sne.s32 s2, $0x0  }
0x100: {  	s3 =	rddreg [dreg:$0x2];
	[bflag:$0x3] =	sbarrier.arrive $0xFFFF;
	s2 =	simm.s32 @!p0 $0x1C03  }
0x101: {  	[timem:s3], [sflag:s2] =	dma.local @!p0 [hbm:s0], s1  }
0x102: {  	s0 =	simm.s32 @!p0 $0x3  }
0x103: {  	_ =	swait.ge @!p0 [sflag:s0], s1  }
0x104: {  	s1 =	ssub.s32 @!p0 $0x0, s1;
	[sflag:s0] =	ssyncset.done @!p0 $0x0  }
0x105: {  	[sflag:s0] =	ssyncadd.s32 @!p0 s1  }
0x106: {  	[bflag:$0x3] =	sbarrier.arrive $0xFFFF  }
0x107: {  	_ =	shalt  }

// kernel: kernel.7.cloned.1.call-start
scs
__scs_entry_jumppad:
0x0: {  	(pc) =	sbr.rel $0x88, $3  }
0x1: {  	(tag) =	ssettag $0x0;
	lr =	simm.s32 $0x1  }
0x2: {  	[smem:$0x3F96] =	sst lr;
	_ =	strace $0xD0000000  }
0x3: {  	_ = 	snop  }
0x4: {  	_ = 	snop  }
0x5: {  	_ = 	snop  }
0x6: {  	_ = 	snop  }
0x7: {  	_ = 	snop  }
__scs_overlays_trampoline_lowered:
0x8: {  	[smem:$0x3FA5] =	sst s0  }
0x9: {  	[smem:$0x3FA6] =	sst s1  }
0xa: {  	[smem:$0x3FA7] =	sst s2  }
0xb: {  	[smem:$0x3FA8] =	sst s3  }
0xc: {  	[smem:$0x3FA9] =	sst s4  }
0xd: {  	[smem:$0x3FAA] =	sst s5  }
0xe: {  	[smem:$0x3FAB] =	sst s6  }
0xf: {  	[smem:$0x3FAC] =	sst s7  }
0x10: {  	[smem:$0x3FAD] =	sst s8  }
0x11: {  	[smem:$0x3FAE] =	sst s9;
	s0 =	simm.s32 @!p0 $0x0  }
0x12: {  	s1 =	sld [smem:$0x3F94];
	s0 =	simm.s32 @p0 $0x1  }
0x13: {  	[smem:$0x3FAF] =	sst s0;
	s0 =	simm.s32 @!p1 $0x0  }
0x14: {  	s2 =	sld [smem:$0x3F93];
	s0 =	simm.s32 @p1 $0x1  }
0x15: {  	[smem:$0x3FB0] =	sst s0;
	s0 =	simm.s32 @!p2 $0x0  }
0x16: {  	s3 =	sld [smem:$0x3FDB];
	s0 =	simm.s32 @p2 $0x1  }
0x17: {  	s4 =	simm.s32 $0x1BF5;
	[smem:$0x3FB2] =	sst s0  }
0x18: {  	s0 =	sld [smem:$0x3F95];
	_ =	swait.ge [sflag:s4], $0x0  }
0x19: {  	s7 =	sld [smem:$0x3F96]  }
0x1a: {  	s8 =	sadd.s32 $0xFFFFE003, lr  }
0x1b: {  	s9 =	sadd.s32 $0xFFFFFEF7, lr;
	s5 =	simm.s32 $0xFFFFFFFF;
	p2 =	slt.u32 s8, $0xFFFFF086  }
0x1c: {  	p1 =	slt.u32 s9, $0xF7A;
	s5 =	simm.s32 @!p2 $0x0  }
0x1d: {  	s5 =	simm.s32 @p1 $0x1;
	p0 =	seq.s32 s7, s2  }
0x1e: {  	s7 =	smul.u32 @!p0 $0xF7A, s2;
	p2 =	seq.s32 @!p0 s5, $0x0  }
0x1f: {  	s9 =	smul.u32 $0xF7A, s1;
	s8 =	simm.s32 @!p0 $0x1BF5;
	p2 =	por !p2, p0  }
0x20: {  	[sflag:s8] =	ssyncset.s32 @!p0 $0xFFFFF086;
	s6 =	sadd.s32 @!p0 s3, s7;
	s7 =	simm.s32 @!p0 $0x108  }
0x21: {  	s3 =	sadd.s32 s3, s9;
	s6 =	sadd.s32 @!p0 $0x88, s6;
	s7 =	simm.s32 @p2 $0x1082  }
0x22: {  	[simem:s7], [sflag:s8] =	dma.local @!p0 [hbm:s6], $0xF7A  }
0x23: {  	s9 =	sor.u32 $0xD0000000, s2;
	s6 =	simm.s32 $0x108;
	_ =	swait.ge @!p0 [sflag:s8], $0x0  }
0x24: {  	s3 =	sadd.s32 $0x88, s3;
	s6 =	simm.s32 @!p1 $0x1082;
	[sflag:s4] =	ssyncset.s32 $0xFFFFF086  }
0x25: {  	[simem:s6], [sflag:s4] =	dma.local [hbm:s3], $0xF7A  }
0x26: {  	[smem:$0x3F96] =	sst s1;
	(tag) =	ssettag s2;
	_ =	strace s9  }
0x27: {  	s1 =	sld [smem:$0x3FA6]  }
0x28: {  	s2 =	sld [smem:$0x3FA7]  }
0x29: {  	s4 =	sld [smem:$0x3FA9]  }
0x2a: {  	p0 =	seq.s32 s5, $0x0;
	s5 =	sld [smem:$0x3FAA]  }
0x2b: {  	s6 =	sld [smem:$0x3FAB]  }
0x2c: {  	s7 =	sld [smem:$0x3FAC]  }
0x2d: {  	s3 =	simm.s32 $0x108;
	s8 =	sld [smem:$0x3FAD]  }
0x2e: {  	s3 =	simm.s32 @!p0 $0x1082;
	s9 =	sld [smem:$0x3FAE]  }
0x2f: {  	lr =	sadd.s32 s0, s3;
	s0 =	sld [smem:$0x3FA5]  }
0x30: {  	s3 =	sld [smem:$0x3FA8]  }
0x31: {  	[smem:$0x3FB1] =	sst s10  }
0x32: {  	s10 =	sld [smem:$0x3FAF];
	_ =	sdelay $0x3  }
0x33: {  	p0 =	seq.s32 s10, $0x1;
	s10 =	sld [smem:$0x3FB1];
	_ =	sdelay $0x3  }
0x34: {  	[smem:$0x3FB1] =	sst s10  }
0x35: {  	s10 =	sld [smem:$0x3FB0];
	_ =	sdelay $0x3  }
0x36: {  	p1 =	seq.s32 s10, $0x1;
	s10 =	sld [smem:$0x3FB1];
	_ =	sdelay $0x3  }
0x37: {  	[smem:$0x3FB1] =	sst s10  }
0x38: {  	s10 =	sld [smem:$0x3FB2]  }
0x39: {  	_ = 	snop;
	(pc) =	sbr.ind lr, $3  }
0x3a: {  	_ = 	snop  }
0x3b: {  	_ = 	snop  }
0x3c: {  	p2 =	seq.s32 s10, $0x1;
	s10 =	sld [smem:$0x3FB1]  }
0x3d: {  	_ =	shalt  }
0x3e: {  	_ =	shalt  }
0x3f: {  	_ =	shalt  }
0x40: {  	_ =	shalt  }
0x41: {  	_ =	shalt  }
0x42: {  	_ =	shalt  }
0x43: {  	_ =	shalt  }
0x44: {  	_ =	shalt  }
0x45: {  	_ =	shalt  }
0x46: {  	_ =	shalt  }
0x47: {  	_ =	shalt  }
0x48: {  	_ =	shalt  }
0x49: {  	_ =	shalt  }
0x4a: {  	_ =	shalt  }
0x4b: {  	_ =	shalt  }
0x4c: {  	_ =	shalt  }
0x4d: {  	_ =	shalt  }
0x4e: {  	_ =	shalt  }
0x4f: {  	_ =	shalt  }
0x50: {  	_ =	shalt  }
0x51: {  	_ =	shalt  }
0x52: {  	_ =	shalt  }
0x53: {  	_ =	shalt  }
0x54: {  	_ =	shalt  }
0x55: {  	_ =	shalt  }
0x56: {  	_ =	shalt  }
0x57: {  	_ =	shalt  }
0x58: {  	_ =	shalt  }
0x59: {  	_ =	shalt  }
0x5a: {  	_ =	shalt  }
0x5b: {  	_ =	shalt  }
0x5c: {  	_ =	shalt  }
0x5d: {  	_ =	shalt  }
0x5e: {  	_ =	shalt  }
0x5f: {  	_ =	shalt  }
0x60: {  	_ =	shalt  }
0x61: {  	_ =	shalt  }
0x62: {  	_ =	shalt  }
0x63: {  	_ =	shalt  }
0x64: {  	_ =	shalt  }
0x65: {  	_ =	shalt  }
0x66: {  	_ =	shalt  }
0x67: {  	_ =	shalt  }
0x68: {  	_ =	shalt  }
0x69: {  	_ =	shalt  }
0x6a: {  	_ =	shalt  }
0x6b: {  	_ =	shalt  }
0x6c: {  	_ =	shalt  }
0x6d: {  	_ =	shalt  }
0x6e: {  	_ =	shalt  }
0x6f: {  	_ =	shalt  }
0x70: {  	_ =	shalt  }
0x71: {  	_ =	shalt  }
0x72: {  	_ =	shalt  }
0x73: {  	_ =	shalt  }
0x74: {  	_ =	shalt  }
0x75: {  	_ =	shalt  }
0x76: {  	_ =	shalt  }
0x77: {  	_ =	shalt  }
0x78: {  	_ =	shalt  }
0x79: {  	_ =	shalt  }
0x7a: {  	_ =	shalt  }
0x7b: {  	_ =	shalt  }
0x7c: {  	_ =	shalt  }
0x7d: {  	_ =	shalt  }
0x7e: {  	_ =	shalt  }
0x7f: {  	_ =	shalt  }
0x80: {  	_ =	shalt  }
0x81: {  	_ =	shalt  }
0x82: {  	_ =	shalt  }
0x83: {  	_ =	shalt  }
0x84: {  	_ =	shalt  }
0x85: {  	_ =	shalt  }
0x86: {  	_ =	shalt  }
0x87: {  	_ =	shalt  }
.Lfunc_end0:
.L_simem_size_0:
called_computation_lowered:
.L_overlay_start_0:
0x88: {  	s2 =	sld [smem:$0x3FD9]  }
0x89: {  	s3 =	sld [smem:$0x3FFE];
	_ =	sdelay $0x1  }
0x8a: {  	s1 =	srdreg.scid  }
0x8b: {  	s0 =	sand.u32 $0x1, s1  }
0x8c: {  	s16 =	sshll.u32 s0, $0xA;
	s2 =	sadd.s32 s3, s2  }
0x8d: {  	s2 =	sadd.s32 s2, s16  }
0x8e: {  	[smem:$0x3FBD] =	sst s2  }
0x8f: {  	_ = 	snop  }
0x90: {  	(tm) =	ssettm $0x1  }
0x91: {  	s17 =	sld [smem:$0x3FFB];
	_ =	sdelay $0x3  }
0x92: {  	_ =	strace s17  }
0x93: {  	s2 =	sld [smem:$0x3FFC];
	_ =	sdelay $0x3  }
0x94: {  	_ =	strace s2  }
0x95: {  	s2 =	sld [smem:$0x3FFD];
	_ =	sdelay $0x3  }
0x96: {  	_ =	strace s2  }
0x97: {  	_ =	strace $0x8FFFFFFF  }
0x98: {  	s18 =	sld [smem:$0x3FDB];
	_ =	sdelay $0x1  }
0x99: {  	s19 =	simm.s32 $_scs_section_size  }
0x9a: {  	s4 =	simm.s32 $_size__tile_overlayer_lowered;
	s5 =	simm.s32 $_tile_overlayer_lowered  }
0x9b: {  	s22 =	simm.s32 $0x1BFF;
	s21 =	sshll.u32 s5, $0x1;
	s2 =	sadd.s32 s19, s18  }
0x9c: {  	s6 =	simm.s32 $0x0;
	s20 =	sshll.u32 s4, $0x1;
	s4 =	sadd.s32 s21, s2  }
0x9d: {  	[timem:s6], [sflag:s22] =	dma.local [hbm:s4], s20  }
0x9e: {  	_ =	swait.ge [sflag:s22], s20  }
0x9f: {  	s3 =	ssub.s32 $0x0, s20;
	[sflag:s22] =	ssyncset.done $0x0  }
0xa0: {  	[sflag:s22] =	ssyncadd.s32 s3;
	_ =	sdelay $0x1  }
0xa1: {  	s23 =	simm.s32 $0x1B8B  }
0xa2: {  	_ =	swait.ge [sflag:s23], $0x1  }
0xa3: {  	[sflag:s23] =	ssyncset.done $0x0  }
0xa4: {  	s25 =	simm.s32 $0x1B8E;
	s24 =	sld [smem:$0x3FFE];
	[sflag:s23] =	ssyncadd.s32 $0xFFFFFFFF  }
0xa5: {  	s26 =	simm.s32 $execute0_lowered;
	[smem:$0x3FD2] =	sst s25  }
0xa6: {  	s4 =	sshll.u32 s26, $0x1;
	_ =	strace $0x80000046;
	[dreg:$0x1] =	wrdreg $0xFFFFFFFF  }
0xa7: {  	s28 =	simm.s32 $_size_execute0_lowered;
	s2 =	sadd.s32 s2, s4;
	[dreg:$0x0] =	wrdreg $0x0  }
0xa8: {  	s4 =	sshll.u32 s28, $0x1;
	[dreg:$0x2] =	wrdreg s2  }
0xa9: {  	[dreg:$0x3] =	wrdreg s4  }
0xaa: {  	[dreg:$0x4] =	wrdreg $0xC0  }
0xab: {  	_ =	task [dreg:s6], $0x5FFFF  }
0xac: {  	[dreg:$0x1] =	wrdreg $0xFFFFFFFF  }
0xad: {  	[dreg:$0x0] =	wrdreg $0x60  }
0xae: {  	[dreg:$0x2] =	wrdreg s24  }
0xaf: {  	[dreg:$0x3] =	wrdreg $0x9  }
0xb0: {  	_ =	task.clear_ibuf [dreg:s6], $0x4FFFF;
	_ =	strace $0x90000046  }
0xb1: {  	s29 =	simm.s32 $0x9;
	_ =	strace $0x80000048  }
0xb2: {  	_ =	swait.ge [sflag:s29], $0x1  }
0xb3: {  	[sflag:s29] =	ssyncadd.s32 $0xFFFFFFFF  }
0xb4: {  	_ =	strace $0x90000048  }
0xb5: {  	_ =	sfence  }
0xb6: {  	s30 =	sld [smem:$0x0];
	_ =	sdelay $0x2  }
0xb7: {  	s31 =	sshll.u32 s1, $0xD;
	s1 =	sshrl.u32 s1, $0x2  }
0xb8: {  	s3 =	sand.u32 $0x4000, s31;
	s1 =	sadd.s32 s1, s30  }
0xb9: {  	s0 =	sor.u32 s3, s0;
	s1 =	sshll.u32 s1, $0x11  }
0xba: {  	s0 =	sor.u32 s1, s0  }
0xbb: {  	s0 =	sadd.s32 $0x8F2B, s0  }
0xbc: {  	[sflag:s0] =	ssyncadd.remote.s32 $0x1  }
0xbd: {  	_ =	sfence.sel $0xFFFF  }
0xbe: {  	[dreg:$0x0] =	wrdreg $0xFFFFFFFF;
	(pc) =	sbr.abs _section_cstart, $3  }
0xbf: {  	[dreg:$0x1] =	wrdreg $0xFFFFFFFF  }
0xc0: {  	_ =	task.clear_ibuf [dreg:s6], $0x2FFFF;
	_ =	strace $0x9FFFFFFF  }
0xc1: {  	(tm) =	ssettm $0x7FFFFFFF  }
tec
execute0_lowered:
.L_overlay_start_1:
0x0: {  	(tag) =	ssettag $0x1  }
0x1: {  	s1 =	stileid.u32  }
0x2: {  	p0 =	seq.s32 s1, $0xF  }
.Ltmp0:
0x3: {  	_ = 	snop;
	(pc) =	sbr.rel @p0 .LBB2_11-.Ltmp0, $4  }
0x4: {  	_ = 	snop  }
0x5: {  	s6 =	rddreg [dreg:$0x0];
	s2 =	simm.s32 $0x0  }
0x6: {  	[smem:$0x7FF] =	sst s2  }
0x7: {  	s0 =	rddreg [dreg:$0x1];
	_ =	strace $0x80000047  }
0x8: {  	s3 =	srdreg.scid  }
0x9: {  	s29 =	sshll.u32 s1, $0x1;
	s10 =	sand.u32 $0x1, s3  }
0xa: {  	s3 =	sor.u32 s10, s29  }
0xb: {  	s4 =	smul.u32 $0x1A, s3  }
0xc: {  	s30 =	smul.u32 $0x34, s1  }
0xd: {  	s12 =	sadd.s32 $0x1400, s6;
	s17 =	simm.s32 $0xCF00;
	s4 =	sshrl.u32 s4, $0x8  }
0xe: {  	s18 =	simm.s32 $0x6F00;
	s19 =	simm.s32 $0xAF00;
	s4 =	smul.u32 $0xA, s4  }
0xf: {  	s20 =	simm.s32 $0xEF00;
	s21 =	simm.s32 $0x1;
	s22 =	simm.s32 $0x2780  }
0x10: {  	s23 =	simm.s32 $0x2;
	s3 =	ssub.s32 s3, s4;
	s4 =	sshrl.u32 s30, $0x8  }
0x11: {  	s24 =	simm.s32 $0x0;
	s15 =	ssub.s32 $0x2, s10;
	s5 =	smul.u32 $0x27800, s4  }
0x12: {  	s31 =	sshrl.u32 s15, $0x1;
	s3 =	sand.u32 $0xFF, s3;
	s13 =	smul.u32 $0x1C000, s4  }
0x13: {  	s4 =	sadd.s32 $0x6400, s6;
	s11 =	smul.u32 $0x2780, s3;
	s3 =	sadd.s32 $0x10C00, s6  }
0x14: {  	s8 =	sshrl.u32 s13, $0x3;
	s9 =	sor.u32 $0x2000, s13;
	s10 =	sadd.s32 $0x4000, s13  }
0x15: {  	s13 =	ssub.s32 s15, s31;
	s15 =	simm.s32 $0x4F00;
	s7 =	sadd.s32 s5, s11  }
0x16: {  	s5 =	sadd.s32 $0x1B400, s6;
	s16 =	sshrl.u32 s11, $0x3;
	s13 =	smax.u32 s13, $0x1  }
0x17: {  	s7 =	sshrl.u32 s7, $0x3;
	s12 =	sadd.s32 s12, s16;
	s16 =	simm.s32 $0x8F00  }
0x18: {  	s14 =	sadd.s32 s7, s6;
	s6 =	sadd.s32 s3, s8;
	s7 =	sadd.s32 s4, s8  }
0x19: {  	v0 =	vimm.f32 $0.0e+00;
	s8 =	sadd.s32 s5, s8;
	s11 =	sadd.s32 $0x25C00, s14;
	s14 =	simm.s32 $0x3  }
.LBB2_2:
0x1a: {  	s25 =	simm.s32 $0x0  }
0x1b: {  	[tilespmem:s25], [sflag:$0x3] =	stream.linear.gather [hbm4b:s12+s25], $0x2780, $0x38;
	[tilespmem:$0x10F00] =	vst v63  }
0x1c: {  	_ =	swait.ge [sflag:s14], $0x2780  }
0x1d: {  	[sflag:s14] =	ssyncset.done $0x0  }
0x1e: {  	s26 =	simm.s32 $0x0;
	s25 =	simm.s32 $0x40;
	[sflag:s14] =	ssyncadd.s32 $0xFFFFD880  }
.LBB2_3:
0x1f: {  	p0 =	sne.s32 s25, $0x9DC0;
	[tilespmem:s26+$0x2780] =	vst v0;
	s26 =	smov.u32 s25;
	s25 =	sadd.s32 $0x40, s25  }
.Ltmp1:
0x20: {  	(pc) =	sbr.rel @p0 .LBB2_3-.Ltmp1, $2  }
0x21: {  	_ =	sdelay $0x2  }
0x22: {  	s26 =	sshra.s32 s26, $0x2  }
0x23: {  	[tilespmem:s26+$0x2780] =	vst v0;
	s25 =	simm.s32 $0x0  }
0x24: {  	[tilespmem:s15], [sflag:$0x1] =	stream.linear.gather [hbm4b:s6+s25], $0x2000, $0x38;
	[tilespmem:$0x10F00] =	vst v63  }
0x25: {  	_ = 	snop  }
0x26: {  	[tilespmem:s16], [sflag:$0x1] =	stream.linear.gather [hbm4b:s7+s25], $0x2000, $0x38;
	[tilespmem:$0x10F00] =	vst v63  }
0x27: {  	s26 =	simm.s32 $0x0  }
0x28: {  	[tilespmem:s17], [sflag:$0x1] =	stream.linear.gather [hbm4b:s8+s25], $0x2000, $0x38;
	[tilespmem:$0x10F00] =	vst v63  }
.LBB2_5:
0x29: {  	s28 =	sshll.u32 s26, $0xE  }
0x2a: {  	s29 =	sadd.s32 s28, s9  }
0x2b: {  	s29 =	sshrl.u32 s29, $0x3  }
0x2c: {  	s30 =	sadd.s32 s3, s29  }
0x2d: {  	[tilespmem:s18], [sflag:$0x2] =	stream.linear.gather [hbm4b:s30+s25], $0x2000, $0x38;
	[tilespmem:$0x10F00] =	vst v63  }
0x2e: {  	s31 =	sadd.s32 s4, s29  }
0x2f: {  	[tilespmem:s19], [sflag:$0x2] =	stream.linear.gather [hbm4b:s31+s25], $0x2000, $0x38;
	[tilespmem:$0x10F00] =	vst v63  }
0x30: {  	s29 =	sadd.s32 s5, s29  }
0x31: {  	[tilespmem:s20], [sflag:$0x2] =	stream.linear.gather [hbm4b:s29+s25], $0x2000, $0x38;
	[tilespmem:$0x10F00] =	vst v63  }
0x32: {  	_ =	swait.ge [sflag:s21], $0x2000  }
0x33: {  	[sflag:s21] =	ssyncset.done $0x0  }
0x34: {  	[sflag:s21] =	ssyncadd.s32 $0xFFFFE000  }
0x35: {  	_ =	swait.ge [sflag:s21], $0x2000  }
0x36: {  	[sflag:s21] =	ssyncset.done $0x0  }
0x37: {  	[sflag:s21] =	ssyncadd.s32 $0xFFFFE000  }
0x38: {  	_ =	swait.ge [sflag:s21], $0x2000  }
0x39: {  	[sflag:s21] =	ssyncset.done $0x0  }
0x3a: {  	s29 =	simm.s32 $0x0;
	[sflag:s21] =	ssyncadd.s32 $0xFFFFE000  }
0x3b: {  	v2 =	vld [tilespmem:s29+$0xCF20]  }
0x3c: {  	v1 =	vld [tilespmem:s29+$0xCF00]  }
0x3d: {  	v3 =	vld [tilespmem:s29+$0xCF10]  }
0x3e: {  	v4 =	vld [tilespmem:s29+$0xCF50]  }
0x3f: {  	v5 =	vld [tilespmem:s29+$0xCF40]  }
0x40: {  	v6 =	vld [tilespmem:s29+$0x4F50]  }
0x41: {  	v7 =	vld [tilespmem:s29+$0x4F60]  }
0x42: {  	v8 =	vld [tilespmem:s29+$0x4F70]  }
0x43: {  	v9 =	vld [tilespmem:s29+$0x8F10]  }
0x44: {  	v10 =	vld [tilespmem:s29+$0x8F00]  }
0x45: {  	v11 =	vld [tilespmem:s29+$0x4F20]  }
0x46: {  	v12 =	vld [tilespmem:s29+$0xCF60]  }
0x47: {  	v13 =	vld [tilespmem:s29+$0x4F40]  }
0x48: {  	v14 =	vld [tilespmem:s29+$0x4F30]  }
0x49: {  	v15 =	vld [tilespmem:s29+$0x4F10]  }
0x4a: {  	v16 =	vld [tilespmem:s29+$0x4F00]  }
0x4b: {  	v17 =	vld [tilespmem:s29+$0xCF30]  }
0x4c: {  	v18 =	vld [tilespmem:s29+$0x8F30]  }
0x4d: {  	v19 =	vld [tilespmem:s29+$0x8F20]  }
0x4e: {  	v20 =	vld [tilespmem:s29+$0x8F40]  }
0x4f: {  	v21 =	vld [tilespmem:s29+$0x8F50]  }
0x50: {  	v22 =	vld [tilespmem:s29+$0x8F60]  }
0x51: {  	v23 =	vld [tilespmem:s29+$0xCF70]  }
0x52: {  	v7 =	vld.idx.msk [tilespmem:v7+s2+$0x0], $0xffff  }
0x53: {  	v11 =	vld.idx.msk [tilespmem:v11+s2+$0x0], $0xffff  }
0x54: {  	v16 =	vld.idx.msk [tilespmem:v16+s2+$0x0], $0xffff  }
0x55: {  	v15 =	vld.idx.msk [tilespmem:v15+s2+$0x0], $0xffff  }
0x56: {  	v13 =	vld.idx.msk [tilespmem:v13+s2+$0x0], $0xffff  }
0x57: {  	v14 =	vld.idx.msk [tilespmem:v14+s2+$0x0], $0xffff  }
0x58: {  	v6 =	vld.idx.msk [tilespmem:v6+s2+$0x0], $0xffff  }
0x59: {  	v8 =	vld.idx.msk [tilespmem:v8+s2+$0x0], $0xffff;
	v16 =	vmul.f32 v16, v1  }
0x5a: {  	v3 =	vmul.f32 v15, v3;
	v1 =	vld [tilespmem:s29+$0x8F70]  }
0x5b: {  	v2 =	vmul.f32 v11, v2;
	[tilespmem:v10+s22+$0x0] =	vst.idx.add.f32.msk $0xffff, v16  }
0x5c: {  	v62 =	vmul.f32 v14, v17;
	[tilespmem:v9+s22+$0x0] =	vst.idx.add.f32.msk $0xffff, v3  }
0x5d: {  	v3 =	vmul.f32 v13, v5;
	[tilespmem:v19+s22+$0x0] =	vst.idx.add.f32.msk $0xffff, v2  }
0x5e: {  	v2 =	vmul.f32 v6, v4;
	[tilespmem:v18+s22+$0x0] =	vst.idx.add.f32.msk $0xffff, v62  }
0x5f: {  	v63 =	vmul.f32 v7, v12;
	[tilespmem:v20+s22+$0x0] =	vst.idx.add.f32.msk $0xffff, v3  }
0x60: {  	[tilespmem:v21+s22+$0x0] =	vst.idx.add.f32.msk $0xffff, v2;
	v2 =	vmul.f32 v8, v23  }
0x61: {  	s29 =	simm.s32 $0x200;
	[tilespmem:v22+s22+$0x0] =	vst.idx.add.f32.msk $0xffff, v63  }
.LBB2_6:
0x62: {  	s30 =	sshra.s32 s29, $0x2;
	p0 =	sne.s32 s29, $0x7E00;
	s29 =	sadd.s32 $0x200, s29;
	[tilespmem:v1+s22+$0x0] =	vst.idx.add.f32.msk $0xffff, v2  }
0x63: {  	v1 =	vld [tilespmem:s30+$0xCF20]  }
0x64: {  	v2 =	vld [tilespmem:s30+$0xCF00]  }
0x65: {  	v3 =	vld [tilespmem:s30+$0xCF10]  }
0x66: {  	v4 =	vld [tilespmem:s30+$0xCF50]  }
0x67: {  	v5 =	vld [tilespmem:s30+$0xCF40]  }
0x68: {  	v6 =	vld [tilespmem:s30+$0x4F50]  }
0x69: {  	v7 =	vld [tilespmem:s30+$0x4F60]  }
0x6a: {  	v8 =	vld [tilespmem:s30+$0x4F70]  }
0x6b: {  	v9 =	vld [tilespmem:s30+$0x8F10]  }
0x6c: {  	v10 =	vld [tilespmem:s30+$0x8F00]  }
0x6d: {  	v11 =	vld [tilespmem:s30+$0x4F20]  }
0x6e: {  	v12 =	vld [tilespmem:s30+$0xCF60]  }
0x6f: {  	v13 =	vld [tilespmem:s30+$0x4F40]  }
0x70: {  	v14 =	vld [tilespmem:s30+$0x4F30]  }
0x71: {  	v7 =	vld.idx.msk [tilespmem:v7+s2+$0x0], $0xffff  }
0x72: {  	v15 =	vld [tilespmem:s30+$0x4F10]  }
0x73: {  	v16 =	vld [tilespmem:s30+$0x4F00]  }
0x74: {  	v17 =	vld [tilespmem:s30+$0xCF30]  }
0x75: {  	v11 =	vld.idx.msk [tilespmem:v11+s2+$0x0], $0xffff  }
0x76: {  	v18 =	vld [tilespmem:s30+$0x8F30]  }
0x77: {  	v13 =	vld.idx.msk [tilespmem:v13+s2+$0x0], $0xffff  }
0x78: {  	v7 =	vmul.f32 v7, v12;
	v6 =	vld.idx.msk [tilespmem:v6+s2+$0x0], $0xffff  }
0x79: {  	v12 =	vld [tilespmem:s30+$0x8F20]  }
0x7a: {  	v15 =	vld.idx.msk [tilespmem:v15+s2+$0x0], $0xffff  }
0x7b: {  	v11 =	vmul.f32 v11, v1;
	v16 =	vld.idx.msk [tilespmem:v16+s2+$0x0], $0xffff  }
0x7c: {  	v14 =	vld.idx.msk [tilespmem:v14+s2+$0x0], $0xffff  }
0x7d: {  	v5 =	vmul.f32 v13, v5;
	v19 =	vld [tilespmem:s30+$0x8F40]  }
0x7e: {  	v4 =	vmul.f32 v6, v4;
	v13 =	vld [tilespmem:s30+$0x8F50]  }
0x7f: {  	v6 =	vld [tilespmem:s30+$0x8F60]  }
0x80: {  	v3 =	vmul.f32 v15, v3;
	v8 =	vld.idx.msk [tilespmem:v8+s2+$0x0], $0xffff  }
0x81: {  	v2 =	vmul.f32 v16, v2;
	v15 =	vld [tilespmem:s30+$0xCF70]  }
0x82: {  	v14 =	vmul.f32 v14, v17;
	v1 =	vld [tilespmem:s30+$0x8F70]  }
0x83: {  	[tilespmem:v10+s22+$0x0] =	vst.idx.add.f32.msk $0xffff, v2  }
0x84: {  	[tilespmem:v9+s22+$0x0] =	vst.idx.add.f32.msk $0xffff, v3  }
.Ltmp2:
0x85: {  	[tilespmem:v12+s22+$0x0] =	vst.idx.add.f32.msk $0xffff, v11;
	(pc) =	sbr.rel @p0 .LBB2_6-.Ltmp2, $4  }
0x86: {  	v2 =	vmul.f32 v8, v15;
	[tilespmem:v18+s22+$0x0] =	vst.idx.add.f32.msk $0xffff, v14  }
0x87: {  	[tilespmem:v19+s22+$0x0] =	vst.idx.add.f32.msk $0xffff, v5  }
0x88: {  	[tilespmem:v13+s22+$0x0] =	vst.idx.add.f32.msk $0xffff, v4  }
0x89: {  	[tilespmem:v6+s22+$0x0] =	vst.idx.add.f32.msk $0xffff, v7  }
0x8a: {  	_ = 	snop  }
0x8b: {  	p0 =	seq.s32 s26, $0x6  }
0x8c: {  	s28 =	sadd.s32 @!p0 s28, s10  }
0x8d: {  	s28 =	sshrl.u32 @!p0 s28, $0x3  }
0x8e: {  	[tilespmem:v1+s22+$0x0] =	vst.idx.add.f32.msk $0xffff, v2;
	s30 =	simm.s32 @!p0 $0x0;
	s31 =	simm.s32 @!p0 $0x4F00;
	s29 =	sadd.s32 @!p0 s3, s28  }
0x8f: {  	[tilespmem:s31], [sflag:$0x1] =	stream.linear.gather @!p0 [hbm4b:s29+s30], $0x2000, $0x38;
	[tilespmem:$0x10F00] =	vst v63  }
0x90: {  	s29 =	sadd.s32 @!p0 s4, s28;
	s31 =	simm.s32 @!p0 $0x8F00  }
0x91: {  	[tilespmem:s31], [sflag:$0x1] =	stream.linear.gather @!p0 [hbm4b:s29+s30], $0x2000, $0x38;
	[tilespmem:$0x10F00] =	vst v63  }
0x92: {  	s28 =	sadd.s32 @!p0 s5, s28;
	s29 =	simm.s32 @!p0 $0xCF00  }
0x93: {  	[tilespmem:s29], [sflag:$0x1] =	stream.linear.gather @!p0 [hbm4b:s28+s30], $0x2000, $0x38;
	[tilespmem:$0x10F00] =	vst v63  }
0x94: {  	_ =	swait.ge [sflag:s23], $0x2000  }
0x95: {  	[sflag:s23] =	ssyncset.done $0x0  }
0x96: {  	[sflag:s23] =	ssyncadd.s32 $0xFFFFE000  }
0x97: {  	_ =	swait.ge [sflag:s23], $0x2000  }
0x98: {  	[sflag:s23] =	ssyncset.done $0x0  }
0x99: {  	[sflag:s23] =	ssyncadd.s32 $0xFFFFE000  }
0x9a: {  	_ =	swait.ge [sflag:s23], $0x2000  }
0x9b: {  	[sflag:s23] =	ssyncset.done $0x0  }
0x9c: {  	s28 =	simm.s32 $0x0;
	[sflag:s23] =	ssyncadd.s32 $0xFFFFE000  }
0x9d: {  	v2 =	vld [tilespmem:s28+$0xEF20]  }
0x9e: {  	v1 =	vld [tilespmem:s28+$0xEF00]  }
0x9f: {  	v3 =	vld [tilespmem:s28+$0xEF10]  }
0xa0: {  	v4 =	vld [tilespmem:s28+$0xEF50]  }
0xa1: {  	v5 =	vld [tilespmem:s28+$0xEF40]  }
0xa2: {  	v6 =	vld [tilespmem:s28+$0x6F50]  }
0xa3: {  	v7 =	vld [tilespmem:s28+$0x6F60]  }
0xa4: {  	v8 =	vld [tilespmem:s28+$0x6F70]  }
0xa5: {  	v9 =	vld [tilespmem:s28+$0xAF10]  }
0xa6: {  	v10 =	vld [tilespmem:s28+$0xAF00]  }
0xa7: {  	v11 =	vld [tilespmem:s28+$0x6F20]  }
0xa8: {  	v12 =	vld [tilespmem:s28+$0xEF60]  }
0xa9: {  	v13 =	vld [tilespmem:s28+$0x6F40]  }
0xaa: {  	v14 =	vld [tilespmem:s28+$0x6F30]  }
0xab: {  	v15 =	vld [tilespmem:s28+$0x6F10]  }
0xac: {  	v16 =	vld [tilespmem:s28+$0x6F00]  }
0xad: {  	v17 =	vld [tilespmem:s28+$0xEF30]  }
0xae: {  	v18 =	vld [tilespmem:s28+$0xAF30]  }
0xaf: {  	v19 =	vld [tilespmem:s28+$0xAF20]  }
0xb0: {  	v20 =	vld [tilespmem:s28+$0xAF40]  }
0xb1: {  	v21 =	vld [tilespmem:s28+$0xAF50]  }
0xb2: {  	v22 =	vld [tilespmem:s28+$0xAF60]  }
0xb3: {  	v23 =	vld [tilespmem:s28+$0xEF70]  }
0xb4: {  	v7 =	vld.idx.msk [tilespmem:v7+s2+$0x0], $0xffff  }
0xb5: {  	v11 =	vld.idx.msk [tilespmem:v11+s2+$0x0], $0xffff  }
0xb6: {  	v16 =	vld.idx.msk [tilespmem:v16+s2+$0x0], $0xffff  }
0xb7: {  	v15 =	vld.idx.msk [tilespmem:v15+s2+$0x0], $0xffff  }
0xb8: {  	v13 =	vld.idx.msk [tilespmem:v13+s2+$0x0], $0xffff  }
0xb9: {  	v14 =	vld.idx.msk [tilespmem:v14+s2+$0x0], $0xffff  }
0xba: {  	v6 =	vld.idx.msk [tilespmem:v6+s2+$0x0], $0xffff  }
0xbb: {  	v8 =	vld.idx.msk [tilespmem:v8+s2+$0x0], $0xffff;
	v16 =	vmul.f32 v16, v1  }
0xbc: {  	v3 =	vmul.f32 v15, v3;
	v1 =	vld [tilespmem:s28+$0xAF70]  }
0xbd: {  	v2 =	vmul.f32 v11, v2;
	[tilespmem:v10+s22+$0x0] =	vst.idx.add.f32.msk $0xffff, v16  }
0xbe: {  	v62 =	vmul.f32 v14, v17;
	[tilespmem:v9+s22+$0x0] =	vst.idx.add.f32.msk $0xffff, v3  }
0xbf: {  	v3 =	vmul.f32 v13, v5;
	[tilespmem:v19+s22+$0x0] =	vst.idx.add.f32.msk $0xffff, v2  }
0xc0: {  	v2 =	vmul.f32 v6, v4;
	[tilespmem:v18+s22+$0x0] =	vst.idx.add.f32.msk $0xffff, v62  }
0xc1: {  	v63 =	vmul.f32 v7, v12;
	[tilespmem:v20+s22+$0x0] =	vst.idx.add.f32.msk $0xffff, v3  }
0xc2: {  	[tilespmem:v21+s22+$0x0] =	vst.idx.add.f32.msk $0xffff, v2;
	v2 =	vmul.f32 v8, v23  }
0xc3: {  	s28 =	simm.s32 $0x200;
	[tilespmem:v22+s22+$0x0] =	vst.idx.add.f32.msk $0xffff, v63  }
.LBB2_8:
0xc4: {  	s29 =	sshra.s32 s28, $0x2;
	p0 =	sne.s32 s28, $0x7E00;
	s28 =	sadd.s32 $0x200, s28;
	[tilespmem:v1+s22+$0x0] =	vst.idx.add.f32.msk $0xffff, v2  }
0xc5: {  	v1 =	vld [tilespmem:s29+$0xEF20]  }
0xc6: {  	v2 =	vld [tilespmem:s29+$0xEF00]  }
0xc7: {  	v3 =	vld [tilespmem:s29+$0xEF10]  }
0xc8: {  	v4 =	vld [tilespmem:s29+$0xEF50]  }
0xc9: {  	v5 =	vld [tilespmem:s29+$0xEF40]  }
0xca: {  	v6 =	vld [tilespmem:s29+$0x6F50]  }
0xcb: {  	v7 =	vld [tilespmem:s29+$0x6F60]  }
0xcc: {  	v8 =	vld [tilespmem:s29+$0x6F70]  }
0xcd: {  	v9 =	vld [tilespmem:s29+$0xAF10]  }
0xce: {  	v10 =	vld [tilespmem:s29+$0xAF00]  }
0xcf: {  	v11 =	vld [tilespmem:s29+$0x6F20]  }
0xd0: {  	v12 =	vld [tilespmem:s29+$0xEF60]  }
0xd1: {  	v13 =	vld [tilespmem:s29+$0x6F40]  }
0xd2: {  	v14 =	vld [tilespmem:s29+$0x6F30]  }
0xd3: {  	v7 =	vld.idx.msk [tilespmem:v7+s2+$0x0], $0xffff  }
0xd4: {  	v15 =	vld [tilespmem:s29+$0x6F10]  }
0xd5: {  	v16 =	vld [tilespmem:s29+$0x6F00]  }
0xd6: {  	v17 =	vld [tilespmem:s29+$0xEF30]  }
0xd7: {  	v11 =	vld.idx.msk [tilespmem:v11+s2+$0x0], $0xffff  }
0xd8: {  	v18 =	vld [tilespmem:s29+$0xAF30]  }
0xd9: {  	v13 =	vld.idx.msk [tilespmem:v13+s2+$0x0], $0xffff  }
0xda: {  	v7 =	vmul.f32 v7, v12;
	v6 =	vld.idx.msk [tilespmem:v6+s2+$0x0], $0xffff  }
0xdb: {  	v12 =	vld [tilespmem:s29+$0xAF20]  }
0xdc: {  	v15 =	vld.idx.msk [tilespmem:v15+s2+$0x0], $0xffff  }
0xdd: {  	v11 =	vmul.f32 v11, v1;
	v16 =	vld.idx.msk [tilespmem:v16+s2+$0x0], $0xffff  }
0xde: {  	v14 =	vld.idx.msk [tilespmem:v14+s2+$0x0], $0xffff  }
0xdf: {  	v5 =	vmul.f32 v13, v5;
	v19 =	vld [tilespmem:s29+$0xAF40]  }
0xe0: {  	v4 =	vmul.f32 v6, v4;
	v13 =	vld [tilespmem:s29+$0xAF50]  }
0xe1: {  	v6 =	vld [tilespmem:s29+$0xAF60]  }
0xe2: {  	v3 =	vmul.f32 v15, v3;
	v8 =	vld.idx.msk [tilespmem:v8+s2+$0x0], $0xffff  }
0xe3: {  	v2 =	vmul.f32 v16, v2;
	v15 =	vld [tilespmem:s29+$0xEF70]  }
0xe4: {  	v14 =	vmul.f32 v14, v17;
	v1 =	vld [tilespmem:s29+$0xAF70]  }
0xe5: {  	[tilespmem:v10+s22+$0x0] =	vst.idx.add.f32.msk $0xffff, v2  }
0xe6: {  	[tilespmem:v9+s22+$0x0] =	vst.idx.add.f32.msk $0xffff, v3  }
.Ltmp3:
0xe7: {  	[tilespmem:v12+s22+$0x0] =	vst.idx.add.f32.msk $0xffff, v11;
	(pc) =	sbr.rel @p0 .LBB2_8-.Ltmp3, $4  }
0xe8: {  	v2 =	vmul.f32 v8, v15;
	[tilespmem:v18+s22+$0x0] =	vst.idx.add.f32.msk $0xffff, v14  }
0xe9: {  	[tilespmem:v19+s22+$0x0] =	vst.idx.add.f32.msk $0xffff, v5  }
0xea: {  	[tilespmem:v13+s22+$0x0] =	vst.idx.add.f32.msk $0xffff, v4  }
0xeb: {  	[tilespmem:v6+s22+$0x0] =	vst.idx.add.f32.msk $0xffff, v7  }
0xec: {  	s26 =	sadd.s32 $0x1, s26  }
0xed: {  	p0 =	sne.s32 s26, $0x7  }
.Ltmp4:
0xee: {  	_ = 	snop;
	(pc) =	sbr.rel @p0 .LBB2_5-.Ltmp4, $2  }
0xef: {  	_ =	sdelay $0x2  }
0xf0: {  	[tilespmem:v1+s22+$0x0] =	vst.idx.add.f32.msk $0xffff, v2  }
0xf1: {  	s24 =	sadd.s32 $0x1, s24  }
0xf2: {  	p0 =	sne.s32 s24, s13  }
.Ltmp5:
0xf3: {  	_ = 	snop;
	(pc) =	sbr.rel @p0 .LBB2_2-.Ltmp5, $4  }
0xf4: {  	[hbm4b:s11+s2] =	stream.linear.scatter [tilespmem:s22], [sflag:$0x3], $0x2780, $0x38;
	[tilespmem:$0x10F00] =	vst v63  }
0xf5: {  	_ =	swait.ge [sflag:s14], $0x2780  }
0xf6: {  	[sflag:s14] =	ssyncset.done $0x0  }
0xf7: {  	[sflag:s14] =	ssyncadd.s32 $0xFFFFD880  }
.LBB2_11:
0xf8: {  	_ =	sfence.sel $0x180000  }
0xf9: {  	[bflag:$0x0] =	sbarrier.arrive $0xFFFF  }
0xfa: {  	p0 =	sne.s32 s1, $0x0;
	_ =	strace $0x90000047  }
0xfb: {  	s0 =	sadd.s32 @!p0 $0x100000, s0;
	[bflag:$0x2] =	sbarrier.arrive $0xFFFF  }
0xfc: {  	[sflag:s0] =	ssyncadd.tile.s32 @!p0 $0x1;
	_ =	shalt  }
.Lfunc_end2:
_tile_overlayer_lowered:
.L_overlay_start_2:
0xfd: {  	(tag) =	ssettag $0x2  }
0xfe: {  	s0 =	rddreg [dreg:$0x0];
	s2 =	stileid.u32  }
0xff: {  	s1 =	rddreg [dreg:$0x1];
	p0 =	sne.s32 s2, $0x0  }
0x100: {  	s3 =	rddreg [dreg:$0x2];
	[bflag:$0x3] =	sbarrier.arrive $0xFFFF;
	s2 =	simm.s32 @!p0 $0x1C03  }
0x101: {  	[timem:s3], [sflag:s2] =	dma.local @!p0 [hbm:s0], s1  }
0x102: {  	s0 =	simm.s32 @!p0 $0x3  }
0x103: {  	_ =	swait.ge @!p0 [sflag:s0], s1  }
0x104: {  	s1 =	ssub.s32 @!p0 $0x0, s1;
	[sflag:s0] =	ssyncset.done @!p0 $0x0  }
0x105: {  	[sflag:s0] =	ssyncadd.s32 @!p0 s1  }
0x106: {  	[bflag:$0x3] =	sbarrier.arrive $0xFFFF  }
0x107: {  	_ =	shalt  }

</sc_bundles>
